<compile_context>
chip_gen: v7x
topology: tpu7x:2x2x1
jax: 0.10.2.dev20260603
libtpu: 0.0.44.dev20260713+nightly
codegen_flags: <defaults>
</compile_context>

<pallas_src>
import functools

import jax
import jax.numpy as jnp
from jax import lax
from jax.experimental import pallas as pl
from jax.experimental.pallas import tpu as pltpu
from jax.experimental.pallas import tpu_sc as plsc

NC = 2
NS = 16
NW = NC * NS
LANES = 16


@functools.lru_cache(maxsize=None)
def _build(B, L, D, V):
    assert B % (2 * NW) == 0
    s_per = B // NW
    c0 = min(L, 128) - (min(L, 128) % 8)
    chunks = []
    off = 0
    while off < L:
        n = min(c0, L - off)
        chunks.append((off, n))
        off += n

    mesh = plsc.VectorSubcoreMesh(
        core_axis_name="c", subcore_axis_name="s",
        num_cores=NC, num_subcores=NS,
    )

    @functools.partial(
        pl.kernel,
        out_type=jax.ShapeDtypeStruct((B, L, D), jnp.float32),
        mesh=mesh,
        scratch_types=[
            pltpu.VMEM((s_per // 2, L), jnp.int32),
            pltpu.VMEM((L, D), jnp.float32),
            pltpu.VMEM((3, L, D), jnp.float32),
            pltpu.SemaphoreType.DMA,
            pltpu.SemaphoreType.DMA,
            pltpu.SemaphoreType.DMA,
            pltpu.SemaphoreType.DMA,
        ],
    )
    def emb_kernel(x_hbm, tok_hbm, pos_hbm, out_hbm,
                   idx_v, pos_v, rows_v, sem_g, sem_o0, sem_o1, sem_o2):
        cid = lax.axis_index("c")
        sid = lax.axis_index("s")
        wid = sid * NC + cid
        base = wid * s_per
        sems_o = (sem_o0, sem_o1, sem_o2)

        hs = s_per // 2
        pltpu.sync_copy(pos_hbm, pos_v)
        pltpu.sync_copy(x_hbm.at[pl.ds(base, hs)], idx_v)

        def fire_gather(i, b):
            for (off, n) in chunks:
                pltpu.async_copy(
                    tok_hbm.at[idx_v.at[lax.rem(i, hs), pl.ds(off, n)]],
                    rows_v.at[b, pl.ds(off, n)],
                    sem_g,
                )

        def wait_gather(i, b):
            for (off, n) in chunks:
                pltpu.make_async_copy(
                    tok_hbm.at[idx_v.at[lax.rem(i, hs), pl.ds(off, n)]],
                    rows_v.at[b, pl.ds(off, n)],
                    sem_g,
                ).wait()

        def fire_out(i, b):
            pltpu.async_copy(rows_v.at[b], out_hbm.at[base + i], sems_o[b])

        def wait_out(b):
            pltpu.make_async_copy(
                rows_v.at[b], out_hbm.at[base], sems_o[b],
            ).wait()

        def add_pos(b):
            def row_body(r, c2):
                for j in range(D // LANES):
                    sl = pl.ds(j * LANES, LANES)
                    plsc.addupdate(rows_v.at[b, r, sl], pos_v[r, sl])
                return c2
            lax.fori_loop(0, L, row_body, 0, unroll=2)

        fire_gather(0, 0)
        fire_gather(1, 1)

        def step(i, b):
            wait_gather(i, b)
            add_pos(b)
            fire_out(i, b)
            b2 = (b + 2) % 3
            pl.when(i >= 1)(lambda: wait_out(b2))
            pl.when(i + 2 == hs)(
                lambda: pltpu.sync_copy(x_hbm.at[pl.ds(base + hs, hs)], idx_v))
            pl.when(i + 2 < s_per)(lambda: fire_gather(i + 2, b2))

        def outer(t, carry):
            i0 = t * 3
            step(i0, 0)
            step(i0 + 1, 1)
            step(i0 + 2, 2)
            return carry

        main = s_per - s_per % 3
        lax.fori_loop(0, s_per // 3, outer, 0)
        for i in range(main, s_per):
            step(i, i % 3)
        wait_out((s_per - 1) % 3)

    return emb_kernel


def kernel(x, token_table, pos_table):
    B, L = x.shape
    V, D = token_table.shape
    fn = _build(B, L, D, V)
    return fn(x.astype(jnp.int32), token_table, pos_table)

# --- scband reference (transcript-rebuilt; emitter-appended) ---
"""Pipeline reference for scband-token-and-position-embedding-4243427688584 (READ-ONLY COPY).

The authoritative reference and input builder live on the scoring server;
editing this copy changes nothing except your own understanding.
"""

import jax, jax.numpy as jnp
import numpy as np


def setup_inputs(seed: int = 0) -> dict:
    key = jax.random.key(seed)
    k1, k2, k3 = jax.random.split(key, 3)
    x = jax.random.randint(k1, (4096, 200), 0, 100000, dtype=jnp.int64 if jax.config.jax_enable_x64 else jnp.int32)
    token_table = jax.random.normal(k2, (100000, 128), dtype=jnp.float32) * 0.02
    pos_table = jax.random.normal(k3, (200, 128), dtype=jnp.float32) * 0.02
    return {"x": x, "token_table": token_table, "pos_table": pos_table}


def reference(x, token_table, pos_table):
    # maxlen = x.shape[-1]; positions = range(maxlen)
    maxlen = x.shape[-1]
    positions = jnp.arange(maxlen)
    pos_emb = jnp.take(pos_table, positions, axis=0)          # [L, D]
    tok_emb = jnp.take(token_table, x, axis=0)                # [B, L, D]
    return tok_emb + pos_emb[None, :, :]

if __name__ == "__main__":
    import jax
    _d = setup_inputs()
    print(jax.jit(kernel)(*tuple(_d.values())))

</pallas_src>

<mosaic_0001>
#map = affine_map<(d0, d1) -> (0, 0)>
#map1 = affine_map<(d0, d1) -> (0, 0, 0)>
module attributes {stable_mosaic.version = 14 : i64} {
  func.func @emb_kernel(%arg0: i32, %arg1: i32, %arg2: memref<4096x200xi32, #tpu.memory_space<hbm>>, %arg3: memref<100000x128xf32, #tpu.memory_space<hbm>>, %arg4: memref<200x128xf32, #tpu.memory_space<hbm>>, %arg5: memref<4096x200x128xf32, #tpu.memory_space<hbm>>, %arg6: memref<64x200xi32, #tpu.memory_space<vmem>>, %arg7: memref<200x128xf32, #tpu.memory_space<vmem>>, %arg8: memref<3x200x128xf32, #tpu.memory_space<vmem>>, %arg9: memref<!tpu.dma_semaphore, #tpu.memory_space<semaphore_mem>>, %arg10: memref<!tpu.dma_semaphore, #tpu.memory_space<semaphore_mem>>, %arg11: memref<!tpu.dma_semaphore, #tpu.memory_space<semaphore_mem>>, %arg12: memref<!tpu.dma_semaphore, #tpu.memory_space<semaphore_mem>>) attributes {dimension_semantics = [#tpu.dimension_semantics<core_parallel>, #tpu.dimension_semantics<subcore_parallel>], iteration_bounds = array<i64: 2, 16>, scalar_prefetch = 0 : i64, scratch_operands = 7 : i64, tpu.core_type = #tpu.core_type<sc_vector_subcore>, window_params = [{transform_indices = #map}, {transform_indices = #map}, {transform_indices = #map}, {transform_indices = #map1}]} {
    %mul3A = arith.constant 2 : i32
    %mul3A_0 = arith.muli %arg1, %mul3A : i32
    %add3A = arith.addi %mul3A_0, %arg0 : i32
    %mul3A_1 = arith.constant 128 : i32
    %mul3A_2 = arith.muli %add3A, %mul3A_1 : i32
    "tpu.region"() ({
      %run_scoped3A = tpu.sem_alloc : memref<!tpu.dma_semaphore, #tpu.memory_space<semaphore_mem>>
      tpu.enqueue_dma source(%arg4 : memref<200x128xf32, #tpu.memory_space<hbm>>) target(%arg7 : memref<200x128xf32, #tpu.memory_space<vmem>>) target_semaphore(%run_scoped3A : memref<!tpu.dma_semaphore, #tpu.memory_space<semaphore_mem>>)
      tpu.wait_dma2 semaphore(%run_scoped3A : memref<!tpu.dma_semaphore, #tpu.memory_space<semaphore_mem>>) src(%arg4 : memref<200x128xf32, #tpu.memory_space<hbm>>) dst(%arg7 : memref<200x128xf32, #tpu.memory_space<vmem>>)
      tpu.yield
    }) : () -> ()
    "tpu.region"() ({
      %run_scoped3A = tpu.sem_alloc : memref<!tpu.dma_semaphore, #tpu.memory_space<semaphore_mem>>
      %dma_start3A_218 = arith.constant 0 : i32
      %dma_start3A_219 = tpu.memref_slice %arg2[%mul3A_2, %dma_start3A_218] : memref<4096x200xi32, #tpu.memory_space<hbm>> -> memref<64x200xi32, #tpu.memory_space<hbm>>
      %dma_start3A_220 = arith.constant 0 : i32
      %dma_start3A_221 = tpu.memref_slice %arg2[%mul3A_2, %dma_start3A_220] : memref<4096x200xi32, #tpu.memory_space<hbm>> -> memref<64x200xi32, #tpu.memory_space<hbm>>
      tpu.enqueue_dma source(%dma_start3A_221 : memref<64x200xi32, #tpu.memory_space<hbm>>) target(%arg6 : memref<64x200xi32, #tpu.memory_space<vmem>>) target_semaphore(%run_scoped3A : memref<!tpu.dma_semaphore, #tpu.memory_space<semaphore_mem>>)
      %dma_wait3A_222 = arith.constant 0 : i32
      %dma_wait3A_223 = tpu.memref_slice %arg2[%mul3A_2, %dma_wait3A_222] : memref<4096x200xi32, #tpu.memory_space<hbm>> -> memref<64x200xi32, #tpu.memory_space<hbm>>
      %dma_wait3A_224 = arith.constant 0 : i32
      %dma_wait3A_225 = tpu.memref_slice %arg2[%mul3A_2, %dma_wait3A_224] : memref<4096x200xi32, #tpu.memory_space<hbm>> -> memref<64x200xi32, #tpu.memory_space<hbm>>
      tpu.wait_dma2 semaphore(%run_scoped3A : memref<!tpu.dma_semaphore, #tpu.memory_space<semaphore_mem>>) src(%dma_wait3A_225 : memref<64x200xi32, #tpu.memory_space<hbm>>) dst(%arg6 : memref<64x200xi32, #tpu.memory_space<vmem>>)
      tpu.yield
    }) : () -> ()
    %rem3A = arith.constant 0 : i32
    %rem3A_3 = arith.constant 64 : i32
    %rem3A_4 = arith.remsi %rem3A, %rem3A_3 : i32
    %dma_start3A = arith.constant 0 : i32
    %dma_start3A_5 = arith.constant 0 : i32
    %dma_start3A_6 = arith.constant 0 : i32
    %dma_start3A_7 = tpu.memref_slice %arg8[%dma_start3A, %dma_start3A_5, %dma_start3A_6] : memref<3x200x128xf32, #tpu.memory_space<vmem>> -> memref<1x128x128xf32, #tpu.memory_space<vmem>>
    %dma_start3A_8 = tpu.memref_squeeze %dma_start3A_7 : memref<1x128x128xf32, #tpu.memory_space<vmem>> -> memref<128x128xf32, #tpu.memory_space<vmem>>
    %dma_start3A_9 = arith.constant 0 : i32
    %dma_start3A_10 = tpu.memref_slice %arg6[%rem3A_4, %dma_start3A_9] : memref<64x200xi32, #tpu.memory_space<vmem>> -> memref<1x128xi32, #tpu.memory_space<vmem>>
    %dma_start3A_11 = tpu.memref_squeeze %dma_start3A_10 : memref<1x128xi32, #tpu.memory_space<vmem>> -> memref<128xi32, #tpu.memory_space<vmem>>
    %dma_start3A_12 = arith.constant 0 : i32
    %dma_start3A_13 = arith.constant 0 : i32
    %dma_start3A_14 = tpu.memref_slice %arg3[%dma_start3A_12, %dma_start3A_13] : memref<100000x128xf32, #tpu.memory_space<hbm>> -> memref<100000x128xf32, #tpu.memory_space<hbm>>
    tpu.enqueue_indirect_dma source(%dma_start3A_14 : memref<100000x128xf32, #tpu.memory_space<hbm>>) target(%dma_start3A_8 : memref<128x128xf32, #tpu.memory_space<vmem>>) offsets(%dma_start3A_11 : memref<128xi32, #tpu.memory_space<vmem>>) semaphore(%arg9 : memref<!tpu.dma_semaphore, #tpu.memory_space<semaphore_mem>>)
    %rem3A_15 = arith.constant 0 : i32
    %rem3A_16 = arith.constant 64 : i32
    %rem3A_17 = arith.remsi %rem3A_15, %rem3A_16 : i32
    %dma_start3A_18 = arith.constant 0 : i32
    %dma_start3A_19 = arith.constant 128 : i32
    %dma_start3A_20 = arith.constant 0 : i32
    %dma_start3A_21 = tpu.memref_slice %arg8[%dma_start3A_18, %dma_start3A_19, %dma_start3A_20] : memref<3x200x128xf32, #tpu.memory_space<vmem>> -> memref<1x72x128xf32, #tpu.memory_space<vmem>>
    %dma_start3A_22 = tpu.memref_squeeze %dma_start3A_21 : memref<1x72x128xf32, #tpu.memory_space<vmem>> -> memref<72x128xf32, #tpu.memory_space<vmem>>
    %dma_start3A_23 = arith.constant 128 : i32
    %dma_start3A_24 = tpu.memref_slice %arg6[%rem3A_17, %dma_start3A_23] : memref<64x200xi32, #tpu.memory_space<vmem>> -> memref<1x72xi32, #tpu.memory_space<vmem>>
    %dma_start3A_25 = tpu.memref_squeeze %dma_start3A_24 : memref<1x72xi32, #tpu.memory_space<vmem>> -> memref<72xi32, #tpu.memory_space<vmem>>
    %dma_start3A_26 = arith.constant 0 : i32
    %dma_start3A_27 = arith.constant 0 : i32
    %dma_start3A_28 = tpu.memref_slice %arg3[%dma_start3A_26, %dma_start3A_27] : memref<100000x128xf32, #tpu.memory_space<hbm>> -> memref<100000x128xf32, #tpu.memory_space<hbm>>
    tpu.enqueue_indirect_dma source(%dma_start3A_28 : memref<100000x128xf32, #tpu.memory_space<hbm>>) target(%dma_start3A_22 : memref<72x128xf32, #tpu.memory_space<vmem>>) offsets(%dma_start3A_25 : memref<72xi32, #tpu.memory_space<vmem>>) semaphore(%arg9 : memref<!tpu.dma_semaphore, #tpu.memory_space<semaphore_mem>>)
    %rem3A_29 = arith.constant 1 : i32
    %rem3A_30 = arith.constant 64 : i32
    %rem3A_31 = arith.remsi %rem3A_29, %rem3A_30 : i32
    %dma_start3A_32 = arith.constant 1 : i32
    %dma_start3A_33 = arith.constant 0 : i32
    %dma_start3A_34 = arith.constant 0 : i32
    %dma_start3A_35 = tpu.memref_slice %arg8[%dma_start3A_32, %dma_start3A_33, %dma_start3A_34] : memref<3x200x128xf32, #tpu.memory_space<vmem>> -> memref<1x128x128xf32, #tpu.memory_space<vmem>>
    %dma_start3A_36 = tpu.memref_squeeze %dma_start3A_35 : memref<1x128x128xf32, #tpu.memory_space<vmem>> -> memref<128x128xf32, #tpu.memory_space<vmem>>
    %dma_start3A_37 = arith.constant 0 : i32
    %dma_start3A_38 = tpu.memref_slice %arg6[%rem3A_31, %dma_start3A_37] : memref<64x200xi32, #tpu.memory_space<vmem>> -> memref<1x128xi32, #tpu.memory_space<vmem>>
    %dma_start3A_39 = tpu.memref_squeeze %dma_start3A_38 : memref<1x128xi32, #tpu.memory_space<vmem>> -> memref<128xi32, #tpu.memory_space<vmem>>
    %dma_start3A_40 = arith.constant 0 : i32
    %dma_start3A_41 = arith.constant 0 : i32
    %dma_start3A_42 = tpu.memref_slice %arg3[%dma_start3A_40, %dma_start3A_41] : memref<100000x128xf32, #tpu.memory_space<hbm>> -> memref<100000x128xf32, #tpu.memory_space<hbm>>
    tpu.enqueue_indirect_dma source(%dma_start3A_42 : memref<100000x128xf32, #tpu.memory_space<hbm>>) target(%dma_start3A_36 : memref<128x128xf32, #tpu.memory_space<vmem>>) offsets(%dma_start3A_39 : memref<128xi32, #tpu.memory_space<vmem>>) semaphore(%arg9 : memref<!tpu.dma_semaphore, #tpu.memory_space<semaphore_mem>>)
    %rem3A_43 = arith.constant 1 : i32
    %rem3A_44 = arith.constant 64 : i32
    %rem3A_45 = arith.remsi %rem3A_43, %rem3A_44 : i32
    %dma_start3A_46 = arith.constant 1 : i32
    %dma_start3A_47 = arith.constant 128 : i32
    %dma_start3A_48 = arith.constant 0 : i32
    %dma_start3A_49 = tpu.memref_slice %arg8[%dma_start3A_46, %dma_start3A_47, %dma_start3A_48] : memref<3x200x128xf32, #tpu.memory_space<vmem>> -> memref<1x72x128xf32, #tpu.memory_space<vmem>>
    %dma_start3A_50 = tpu.memref_squeeze %dma_start3A_49 : memref<1x72x128xf32, #tpu.memory_space<vmem>> -> memref<72x128xf32, #tpu.memory_space<vmem>>
    %dma_start3A_51 = arith.constant 128 : i32
    %dma_start3A_52 = tpu.memref_slice %arg6[%rem3A_45, %dma_start3A_51] : memref<64x200xi32, #tpu.memory_space<vmem>> -> memref<1x72xi32, #tpu.memory_space<vmem>>
    %dma_start3A_53 = tpu.memref_squeeze %dma_start3A_52 : memref<1x72xi32, #tpu.memory_space<vmem>> -> memref<72xi32, #tpu.memory_space<vmem>>
    %dma_start3A_54 = arith.constant 0 : i32
    %dma_start3A_55 = arith.constant 0 : i32
    %dma_start3A_56 = tpu.memref_slice %arg3[%dma_start3A_54, %dma_start3A_55] : memref<100000x128xf32, #tpu.memory_space<hbm>> -> memref<100000x128xf32, #tpu.memory_space<hbm>>
    tpu.enqueue_indirect_dma source(%dma_start3A_56 : memref<100000x128xf32, #tpu.memory_space<hbm>>) target(%dma_start3A_50 : memref<72x128xf32, #tpu.memory_space<vmem>>) offsets(%dma_start3A_53 : memref<72xi32, #tpu.memory_space<vmem>>) semaphore(%arg9 : memref<!tpu.dma_semaphore, #tpu.memory_space<semaphore_mem>>)
    %scan3A = arith.constant 0 : i32
    %scan3A_57 = arith.constant 0 : i32
    %scan3A_58 = arith.constant 42 : i32
    %scan3A_59 = arith.addi %scan3A_57, %scan3A_58 : i32
    %scan3A_60 = arith.constant 1 : i32
    scf.for %scan3A_218 = %scan3A_57 to %scan3A_59 step %scan3A_60  : i32 {
      %mul3A_219 = arith.constant 3 : i32
      %mul3A_220 = arith.muli %scan3A_218, %mul3A_219 : i32
      %rem3A_221 = arith.constant 64 : i32
      %rem3A_222 = arith.remsi %mul3A_220, %rem3A_221 : i32
      %dma_wait3A_223 = arith.constant 0 : i32
      %dma_wait3A_224 = arith.constant 0 : i32
      %dma_wait3A_225 = arith.constant 0 : i32
      %dma_wait3A_226 = tpu.memref_slice %arg8[%dma_wait3A_223, %dma_wait3A_224, %dma_wait3A_225] : memref<3x200x128xf32, #tpu.memory_space<vmem>> -> memref<1x128x128xf32, #tpu.memory_space<vmem>>
      %dma_wait3A_227 = tpu.memref_squeeze %dma_wait3A_226 : memref<1x128x128xf32, #tpu.memory_space<vmem>> -> memref<128x128xf32, #tpu.memory_space<vmem>>
      %dma_wait3A_228 = arith.constant 0 : i32
      %dma_wait3A_229 = tpu.memref_slice %arg6[%rem3A_222, %dma_wait3A_228] : memref<64x200xi32, #tpu.memory_space<vmem>> -> memref<1x128xi32, #tpu.memory_space<vmem>>
      %dma_wait3A_230 = tpu.memref_squeeze %dma_wait3A_229 : memref<1x128xi32, #tpu.memory_space<vmem>> -> memref<128xi32, #tpu.memory_space<vmem>>
      %dma_wait3A_231 = arith.constant 0 : i32
      %dma_wait3A_232 = arith.constant 0 : i32
      %dma_wait3A_233 = tpu.memref_slice %arg3[%dma_wait3A_231, %dma_wait3A_232] : memref<100000x128xf32, #tpu.memory_space<hbm>> -> memref<100000x128xf32, #tpu.memory_space<hbm>>
      tpu.wait_indirect_dma semaphore(%arg9 : memref<!tpu.dma_semaphore, #tpu.memory_space<semaphore_mem>>) src(%dma_wait3A_233 : memref<100000x128xf32, #tpu.memory_space<hbm>>) dst(%dma_wait3A_227 : memref<128x128xf32, #tpu.memory_space<vmem>>)
      %rem3A_234 = arith.constant 64 : i32
      %rem3A_235 = arith.remsi %mul3A_220, %rem3A_234 : i32
      %dma_wait3A_236 = arith.constant 0 : i32
      %dma_wait3A_237 = arith.constant 128 : i32
      %dma_wait3A_238 = arith.constant 0 : i32
      %dma_wait3A_239 = tpu.memref_slice %arg8[%dma_wait3A_236, %dma_wait3A_237, %dma_wait3A_238] : memref<3x200x128xf32, #tpu.memory_space<vmem>> -> memref<1x72x128xf32, #tpu.memory_space<vmem>>
      %dma_wait3A_240 = tpu.memref_squeeze %dma_wait3A_239 : memref<1x72x128xf32, #tpu.memory_space<vmem>> -> memref<72x128xf32, #tpu.memory_space<vmem>>
      %dma_wait3A_241 = arith.constant 128 : i32
      %dma_wait3A_242 = tpu.memref_slice %arg6[%rem3A_235, %dma_wait3A_241] : memref<64x200xi32, #tpu.memory_space<vmem>> -> memref<1x72xi32, #tpu.memory_space<vmem>>
      %dma_wait3A_243 = tpu.memref_squeeze %dma_wait3A_242 : memref<1x72xi32, #tpu.memory_space<vmem>> -> memref<72xi32, #tpu.memory_space<vmem>>
      %dma_wait3A_244 = arith.constant 0 : i32
      %dma_wait3A_245 = arith.constant 0 : i32
      %dma_wait3A_246 = tpu.memref_slice %arg3[%dma_wait3A_244, %dma_wait3A_245] : memref<100000x128xf32, #tpu.memory_space<hbm>> -> memref<100000x128xf32, #tpu.memory_space<hbm>>
      tpu.wait_indirect_dma semaphore(%arg9 : memref<!tpu.dma_semaphore, #tpu.memory_space<semaphore_mem>>) src(%dma_wait3A_246 : memref<100000x128xf32, #tpu.memory_space<hbm>>) dst(%dma_wait3A_240 : memref<72x128xf32, #tpu.memory_space<vmem>>)
      %scan3A_247 = arith.constant 0 : i32
      %scan3A_248 = arith.constant 0 : i32
      %scan3A_249 = arith.constant 200 : i32
      %scan3A_250 = arith.addi %scan3A_248, %scan3A_249 : i32
      %scan3A_251 = arith.constant 2 : i32
      scf.for %scan3A_427 = %scan3A_248 to %scan3A_250 step %scan3A_251  : i32 {
        %get3A = arith.index_cast %scan3A_427 : i32 to index
        %get3A_428 = arith.constant 0 : index
        %get3A_429 = tpu.vector_load %arg7[%get3A, %get3A_428] {strides = array<i32>} : memref<200x128xf32, #tpu.memory_space<vmem>>, vector<1x16xf32>,
        %get3A_430 = vector.shape_cast %get3A_429 : vector<1x16xf32> to vector<16xf32>
        %swap3A = arith.constant 0 : i32
        %swap3A_431 = arith.index_cast %swap3A : i32 to index
        %swap3A_432 = arith.index_cast %scan3A_427 : i32 to index
        %swap3A_433 = arith.constant 0 : index
        %swap3A_434 = tpu.vector_load %arg8[%swap3A_431, %swap3A_432, %swap3A_433] {strides = array<i32>} : memref<3x200x128xf32, #tpu.memory_space<vmem>>, vector<1x1x16xf32>,
        %swap3A_435 = vector.shape_cast %swap3A_434 : vector<1x1x16xf32> to vector<16xf32>
        %swap3A_436 = vector.shape_cast %get3A_430 : vector<16xf32> to vector<1x1x16xf32>
        tpu.vector_store %arg8[%swap3A_431, %swap3A_432, %swap3A_433], %swap3A_436 {add = true, strides = array<i32>} : memref<3x200x128xf32, #tpu.memory_space<vmem>>, vector<1x1x16xf32>,
        %get3A_437 = arith.index_cast %scan3A_427 : i32 to index
        %get3A_438 = arith.constant 16 : index
        %get3A_439 = tpu.vector_load %arg7[%get3A_437, %get3A_438] {strides = array<i32>} : memref<200x128xf32, #tpu.memory_space<vmem>>, vector<1x16xf32>,
        %get3A_440 = vector.shape_cast %get3A_439 : vector<1x16xf32> to vector<16xf32>
        %swap3A_441 = arith.constant 0 : i32
        %swap3A_442 = arith.index_cast %swap3A_441 : i32 to index
        %swap3A_443 = arith.index_cast %scan3A_427 : i32 to index
        %swap3A_444 = arith.constant 16 : index
        %swap3A_445 = tpu.vector_load %arg8[%swap3A_442, %swap3A_443, %swap3A_444] {strides = array<i32>} : memref<3x200x128xf32, #tpu.memory_space<vmem>>, vector<1x1x16xf32>,
        %swap3A_446 = vector.shape_cast %swap3A_445 : vector<1x1x16xf32> to vector<16xf32>
        %swap3A_447 = vector.shape_cast %get3A_440 : vector<16xf32> to vector<1x1x16xf32>
        tpu.vector_store %arg8[%swap3A_442, %swap3A_443, %swap3A_444], %swap3A_447 {add = true, strides = array<i32>} : memref<3x200x128xf32, #tpu.memory_space<vmem>>, vector<1x1x16xf32>,
        %get3A_448 = arith.index_cast %scan3A_427 : i32 to index
        %get3A_449 = arith.constant 32 : index
        %get3A_450 = tpu.vector_load %arg7[%get3A_448, %get3A_449] {strides = array<i32>} : memref<200x128xf32, #tpu.memory_space<vmem>>, vector<1x16xf32>,
        %get3A_451 = vector.shape_cast %get3A_450 : vector<1x16xf32> to vector<16xf32>
        %swap3A_452 = arith.constant 0 : i32
        %swap3A_453 = arith.index_cast %swap3A_452 : i32 to index
        %swap3A_454 = arith.index_cast %scan3A_427 : i32 to index
        %swap3A_455 = arith.constant 32 : index
        %swap3A_456 = tpu.vector_load %arg8[%swap3A_453, %swap3A_454, %swap3A_455] {strides = array<i32>} : memref<3x200x128xf32, #tpu.memory_space<vmem>>, vector<1x1x16xf32>,
        %swap3A_457 = vector.shape_cast %swap3A_456 : vector<1x1x16xf32> to vector<16xf32>
        %swap3A_458 = vector.shape_cast %get3A_451 : vector<16xf32> to vector<1x1x16xf32>
        tpu.vector_store %arg8[%swap3A_453, %swap3A_454, %swap3A_455], %swap3A_458 {add = true, strides = array<i32>} : memref<3x200x128xf32, #tpu.memory_space<vmem>>, vector<1x1x16xf32>,
        %get3A_459 = arith.index_cast %scan3A_427 : i32 to index
        %get3A_460 = arith.constant 48 : index
        %get3A_461 = tpu.vector_load %arg7[%get3A_459, %get3A_460] {strides = array<i32>} : memref<200x128xf32, #tpu.memory_space<vmem>>, vector<1x16xf32>,
        %get3A_462 = vector.shape_cast %get3A_461 : vector<1x16xf32> to vector<16xf32>
        %swap3A_463 = arith.constant 0 : i32
        %swap3A_464 = arith.index_cast %swap3A_463 : i32 to index
        %swap3A_465 = arith.index_cast %scan3A_427 : i32 to index
        %swap3A_466 = arith.constant 48 : index
        %swap3A_467 = tpu.vector_load %arg8[%swap3A_464, %swap3A_465, %swap3A_466] {strides = array<i32>} : memref<3x200x128xf32, #tpu.memory_space<vmem>>, vector<1x1x16xf32>,
        %swap3A_468 = vector.shape_cast %swap3A_467 : vector<1x1x16xf32> to vector<16xf32>
        %swap3A_469 = vector.shape_cast %get3A_462 : vector<16xf32> to vector<1x1x16xf32>
        tpu.vector_store %arg8[%swap3A_464, %swap3A_465, %swap3A_466], %swap3A_469 {add = true, strides = array<i32>} : memref<3x200x128xf32, #tpu.memory_space<vmem>>, vector<1x1x16xf32>,
        %get3A_470 = arith.index_cast %scan3A_427 : i32 to index
        %get3A_471 = arith.constant 64 : index
        %get3A_472 = tpu.vector_load %arg7[%get3A_470, %get3A_471] {strides = array<i32>} : memref<200x128xf32, #tpu.memory_space<vmem>>, vector<1x16xf32>,
        %get3A_473 = vector.shape_cast %get3A_472 : vector<1x16xf32> to vector<16xf32>
        %swap3A_474 = arith.constant 0 : i32
        %swap3A_475 = arith.index_cast %swap3A_474 : i32 to index
        %swap3A_476 = arith.index_cast %scan3A_427 : i32 to index
        %swap3A_477 = arith.constant 64 : index
        %swap3A_478 = tpu.vector_load %arg8[%swap3A_475, %swap3A_476, %swap3A_477] {strides = array<i32>} : memref<3x200x128xf32, #tpu.memory_space<vmem>>, vector<1x1x16xf32>,
        %swap3A_479 = vector.shape_cast %swap3A_478 : vector<1x1x16xf32> to vector<16xf32>
        %swap3A_480 = vector.shape_cast %get3A_473 : vector<16xf32> to vector<1x1x16xf32>
        tpu.vector_store %arg8[%swap3A_475, %swap3A_476, %swap3A_477], %swap3A_480 {add = true, strides = array<i32>} : memref<3x200x128xf32, #tpu.memory_space<vmem>>, vector<1x1x16xf32>,
        %get3A_481 = arith.index_cast %scan3A_427 : i32 to index
        %get3A_482 = arith.constant 80 : index
        %get3A_483 = tpu.vector_load %arg7[%get3A_481, %get3A_482] {strides = array<i32>} : memref<200x128xf32, #tpu.memory_space<vmem>>, vector<1x16xf32>,
        %get3A_484 = vector.shape_cast %get3A_483 : vector<1x16xf32> to vector<16xf32>
        %swap3A_485 = arith.constant 0 : i32
        %swap3A_486 = arith.index_cast %swap3A_485 : i32 to index
        %swap3A_487 = arith.index_cast %scan3A_427 : i32 to index
        %swap3A_488 = arith.constant 80 : index
        %swap3A_489 = tpu.vector_load %arg8[%swap3A_486, %swap3A_487, %swap3A_488] {strides = array<i32>} : memref<3x200x128xf32, #tpu.memory_space<vmem>>, vector<1x1x16xf32>,
        %swap3A_490 = vector.shape_cast %swap3A_489 : vector<1x1x16xf32> to vector<16xf32>
        %swap3A_491 = vector.shape_cast %get3A_484 : vector<16xf32> to vector<1x1x16xf32>
        tpu.vector_store %arg8[%swap3A_486, %swap3A_487, %swap3A_488], %swap3A_491 {add = true, strides = array<i32>} : memref<3x200x128xf32, #tpu.memory_space<vmem>>, vector<1x1x16xf32>,
        %get3A_492 = arith.index_cast %scan3A_427 : i32 to index
        %get3A_493 = arith.constant 96 : index
        %get3A_494 = tpu.vector_load %arg7[%get3A_492, %get3A_493] {strides = array<i32>} : memref<200x128xf32, #tpu.memory_space<vmem>>, vector<1x16xf32>,
        %get3A_495 = vector.shape_cast %get3A_494 : vector<1x16xf32> to vector<16xf32>
        %swap3A_496 = arith.constant 0 : i32
        %swap3A_497 = arith.index_cast %swap3A_496 : i32 to index
        %swap3A_498 = arith.index_cast %scan3A_427 : i32 to index
        %swap3A_499 = arith.constant 96 : index
        %swap3A_500 = tpu.vector_load %arg8[%swap3A_497, %swap3A_498, %swap3A_499] {strides = array<i32>} : memref<3x200x128xf32, #tpu.memory_space<vmem>>, vector<1x1x16xf32>,
        %swap3A_501 = vector.shape_cast %swap3A_500 : vector<1x1x16xf32> to vector<16xf32>
        %swap3A_502 = vector.shape_cast %get3A_495 : vector<16xf32> to vector<1x1x16xf32>
        tpu.vector_store %arg8[%swap3A_497, %swap3A_498, %swap3A_499], %swap3A_502 {add = true, strides = array<i32>} : memref<3x200x128xf32, #tpu.memory_space<vmem>>, vector<1x1x16xf32>,
        %get3A_503 = arith.index_cast %scan3A_427 : i32 to index
        %get3A_504 = arith.constant 112 : index
        %get3A_505 = tpu.vector_load %arg7[%get3A_503, %get3A_504] {strides = array<i32>} : memref<200x128xf32, #tpu.memory_space<vmem>>, vector<1x16xf32>,
        %get3A_506 = vector.shape_cast %get3A_505 : vector<1x16xf32> to vector<16xf32>
        %swap3A_507 = arith.constant 0 : i32
        %swap3A_508 = arith.index_cast %swap3A_507 : i32 to index
        %swap3A_509 = arith.index_cast %scan3A_427 : i32 to index
        %swap3A_510 = arith.constant 112 : index
        %swap3A_511 = tpu.vector_load %arg8[%swap3A_508, %swap3A_509, %swap3A_510] {strides = array<i32>} : memref<3x200x128xf32, #tpu.memory_space<vmem>>, vector<1x1x16xf32>,
        %swap3A_512 = vector.shape_cast %swap3A_511 : vector<1x1x16xf32> to vector<16xf32>
        %swap3A_513 = vector.shape_cast %get3A_506 : vector<16xf32> to vector<1x1x16xf32>
        tpu.vector_store %arg8[%swap3A_508, %swap3A_509, %swap3A_510], %swap3A_513 {add = true, strides = array<i32>} : memref<3x200x128xf32, #tpu.memory_space<vmem>>, vector<1x1x16xf32>,
        %scan3A_514 = arith.constant 1 : i32
        %scan3A_515 = arith.addi %scan3A_427, %scan3A_514 : i32
        %get3A_516 = arith.index_cast %scan3A_515 : i32 to index
        %get3A_517 = arith.constant 0 : index
        %get3A_518 = tpu.vector_load %arg7[%get3A_516, %get3A_517] {strides = array<i32>} : memref<200x128xf32, #tpu.memory_space<vmem>>, vector<1x16xf32>,
        %get3A_519 = vector.shape_cast %get3A_518 : vector<1x16xf32> to vector<16xf32>
        %swap3A_520 = arith.constant 0 : i32
        %swap3A_521 = arith.index_cast %swap3A_520 : i32 to index
        %swap3A_522 = arith.index_cast %scan3A_515 : i32 to index
        %swap3A_523 = arith.constant 0 : index
        %swap3A_524 = tpu.vector_load %arg8[%swap3A_521, %swap3A_522, %swap3A_523] {strides = array<i32>} : memref<3x200x128xf32, #tpu.memory_space<vmem>>, vector<1x1x16xf32>,
        %swap3A_525 = vector.shape_cast %swap3A_524 : vector<1x1x16xf32> to vector<16xf32>
        %swap3A_526 = vector.shape_cast %get3A_519 : vector<16xf32> to vector<1x1x16xf32>
        tpu.vector_store %arg8[%swap3A_521, %swap3A_522, %swap3A_523], %swap3A_526 {add = true, strides = array<i32>} : memref<3x200x128xf32, #tpu.memory_space<vmem>>, vector<1x1x16xf32>,
        %get3A_527 = arith.index_cast %scan3A_515 : i32 to index
        %get3A_528 = arith.constant 16 : index
        %get3A_529 = tpu.vector_load %arg7[%get3A_527, %get3A_528] {strides = array<i32>} : memref<200x128xf32, #tpu.memory_space<vmem>>, vector<1x16xf32>,
        %get3A_530 = vector.shape_cast %get3A_529 : vector<1x16xf32> to vector<16xf32>
        %swap3A_531 = arith.constant 0 : i32
        %swap3A_532 = arith.index_cast %swap3A_531 : i32 to index
        %swap3A_533 = arith.index_cast %scan3A_515 : i32 to index
        %swap3A_534 = arith.constant 16 : index
        %swap3A_535 = tpu.vector_load %arg8[%swap3A_532, %swap3A_533, %swap3A_534] {strides = array<i32>} : memref<3x200x128xf32, #tpu.memory_space<vmem>>, vector<1x1x16xf32>,
        %swap3A_536 = vector.shape_cast %swap3A_535 : vector<1x1x16xf32> to vector<16xf32>
        %swap3A_537 = vector.shape_cast %get3A_530 : vector<16xf32> to vector<1x1x16xf32>
        tpu.vector_store %arg8[%swap3A_532, %swap3A_533, %swap3A_534], %swap3A_537 {add = true, strides = array<i32>} : memref<3x200x128xf32, #tpu.memory_space<vmem>>, vector<1x1x16xf32>,
        %get3A_538 = arith.index_cast %scan3A_515 : i32 to index
        %get3A_539 = arith.constant 32 : index
        %get3A_540 = tpu.vector_load %arg7[%get3A_538, %get3A_539] {strides = array<i32>} : memref<200x128xf32, #tpu.memory_space<vmem>>, vector<1x16xf32>,
        %get3A_541 = vector.shape_cast %get3A_540 : vector<1x16xf32> to vector<16xf32>
        %swap3A_542 = arith.constant 0 : i32
        %swap3A_543 = arith.index_cast %swap3A_542 : i32 to index
        %swap3A_544 = arith.index_cast %scan3A_515 : i32 to index
        %swap3A_545 = arith.constant 32 : index
        %swap3A_546 = tpu.vector_load %arg8[%swap3A_543, %swap3A_544, %swap3A_545] {strides = array<i32>} : memref<3x200x128xf32, #tpu.memory_space<vmem>>, vector<1x1x16xf32>,
        %swap3A_547 = vector.shape_cast %swap3A_546 : vector<1x1x16xf32> to vector<16xf32>
        %swap3A_548 = vector.shape_cast %get3A_541 : vector<16xf32> to vector<1x1x16xf32>
        tpu.vector_store %arg8[%swap3A_543, %swap3A_544, %swap3A_545], %swap3A_548 {add = true, strides = array<i32>} : memref<3x200x128xf32, #tpu.memory_space<vmem>>, vector<1x1x16xf32>,
        %get3A_549 = arith.index_cast %scan3A_515 : i32 to index
        %get3A_550 = arith.constant 48 : index
        %get3A_551 = tpu.vector_load %arg7[%get3A_549, %get3A_550] {strides = array<i32>} : memref<200x128xf32, #tpu.memory_space<vmem>>, vector<1x16xf32>,
        %get3A_552 = vector.shape_cast %get3A_551 : vector<1x16xf32> to vector<16xf32>
        %swap3A_553 = arith.constant 0 : i32
        %swap3A_554 = arith.index_cast %swap3A_553 : i32 to index
        %swap3A_555 = arith.index_cast %scan3A_515 : i32 to index
        %swap3A_556 = arith.constant 48 : index
        %swap3A_557 = tpu.vector_load %arg8[%swap3A_554, %swap3A_555, %swap3A_556] {strides = array<i32>} : memref<3x200x128xf32, #tpu.memory_space<vmem>>, vector<1x1x16xf32>,
        %swap3A_558 = vector.shape_cast %swap3A_557 : vector<1x1x16xf32> to vector<16xf32>
        %swap3A_559 = vector.shape_cast %get3A_552 : vector<16xf32> to vector<1x1x16xf32>
        tpu.vector_store %arg8[%swap3A_554, %swap3A_555, %swap3A_556], %swap3A_559 {add = true, strides = array<i32>} : memref<3x200x128xf32, #tpu.memory_space<vmem>>, vector<1x1x16xf32>,
        %get3A_560 = arith.index_cast %scan3A_515 : i32 to index
        %get3A_561 = arith.constant 64 : index
        %get3A_562 = tpu.vector_load %arg7[%get3A_560, %get3A_561] {strides = array<i32>} : memref<200x128xf32, #tpu.memory_space<vmem>>, vector<1x16xf32>,
        %get3A_563 = vector.shape_cast %get3A_562 : vector<1x16xf32> to vector<16xf32>
        %swap3A_564 = arith.constant 0 : i32
        %swap3A_565 = arith.index_cast %swap3A_564 : i32 to index
        %swap3A_566 = arith.index_cast %scan3A_515 : i32 to index
        %swap3A_567 = arith.constant 64 : index
        %swap3A_568 = tpu.vector_load %arg8[%swap3A_565, %swap3A_566, %swap3A_567] {strides = array<i32>} : memref<3x200x128xf32, #tpu.memory_space<vmem>>, vector<1x1x16xf32>,
        %swap3A_569 = vector.shape_cast %swap3A_568 : vector<1x1x16xf32> to vector<16xf32>
        %swap3A_570 = vector.shape_cast %get3A_563 : vector<16xf32> to vector<1x1x16xf32>
        tpu.vector_store %arg8[%swap3A_565, %swap3A_566, %swap3A_567], %swap3A_570 {add = true, strides = array<i32>} : memref<3x200x128xf32, #tpu.memory_space<vmem>>, vector<1x1x16xf32>,
        %get3A_571 = arith.index_cast %scan3A_515 : i32 to index
        %get3A_572 = arith.constant 80 : index
        %get3A_573 = tpu.vector_load %arg7[%get3A_571, %get3A_572] {strides = array<i32>} : memref<200x128xf32, #tpu.memory_space<vmem>>, vector<1x16xf32>,
        %get3A_574 = vector.shape_cast %get3A_573 : vector<1x16xf32> to vector<16xf32>
        %swap3A_575 = arith.constant 0 : i32
        %swap3A_576 = arith.index_cast %swap3A_575 : i32 to index
        %swap3A_577 = arith.index_cast %scan3A_515 : i32 to index
        %swap3A_578 = arith.constant 80 : index
        %swap3A_579 = tpu.vector_load %arg8[%swap3A_576, %swap3A_577, %swap3A_578] {strides = array<i32>} : memref<3x200x128xf32, #tpu.memory_space<vmem>>, vector<1x1x16xf32>,
        %swap3A_580 = vector.shape_cast %swap3A_579 : vector<1x1x16xf32> to vector<16xf32>
        %swap3A_581 = vector.shape_cast %get3A_574 : vector<16xf32> to vector<1x1x16xf32>
        tpu.vector_store %arg8[%swap3A_576, %swap3A_577, %swap3A_578], %swap3A_581 {add = true, strides = array<i32>} : memref<3x200x128xf32, #tpu.memory_space<vmem>>, vector<1x1x16xf32>,
        %get3A_582 = arith.index_cast %scan3A_515 : i32 to index
        %get3A_583 = arith.constant 96 : index
        %get3A_584 = tpu.vector_load %arg7[%get3A_582, %get3A_583] {strides = array<i32>} : memref<200x128xf32, #tpu.memory_space<vmem>>, vector<1x16xf32>,
        %get3A_585 = vector.shape_cast %get3A_584 : vector<1x16xf32> to vector<16xf32>
        %swap3A_586 = arith.constant 0 : i32
        %swap3A_587 = arith.index_cast %swap3A_586 : i32 to index
        %swap3A_588 = arith.index_cast %scan3A_515 : i32 to index
        %swap3A_589 = arith.constant 96 : index
        %swap3A_590 = tpu.vector_load %arg8[%swap3A_587, %swap3A_588, %swap3A_589] {strides = array<i32>} : memref<3x200x128xf32, #tpu.memory_space<vmem>>, vector<1x1x16xf32>,
        %swap3A_591 = vector.shape_cast %swap3A_590 : vector<1x1x16xf32> to vector<16xf32>
        %swap3A_592 = vector.shape_cast %get3A_585 : vector<16xf32> to vector<1x1x16xf32>
        tpu.vector_store %arg8[%swap3A_587, %swap3A_588, %swap3A_589], %swap3A_592 {add = true, strides = array<i32>} : memref<3x200x128xf32, #tpu.memory_space<vmem>>, vector<1x1x16xf32>,
        %get3A_593 = arith.index_cast %scan3A_515 : i32 to index
        %get3A_594 = arith.constant 112 : index
        %get3A_595 = tpu.vector_load %arg7[%get3A_593, %get3A_594] {strides = array<i32>} : memref<200x128xf32, #tpu.memory_space<vmem>>, vector<1x16xf32>,
        %get3A_596 = vector.shape_cast %get3A_595 : vector<1x16xf32> to vector<16xf32>
        %swap3A_597 = arith.constant 0 : i32
        %swap3A_598 = arith.index_cast %swap3A_597 : i32 to index
        %swap3A_599 = arith.index_cast %scan3A_515 : i32 to index
        %swap3A_600 = arith.constant 112 : index
        %swap3A_601 = tpu.vector_load %arg8[%swap3A_598, %swap3A_599, %swap3A_600] {strides = array<i32>} : memref<3x200x128xf32, #tpu.memory_space<vmem>>, vector<1x1x16xf32>,
        %swap3A_602 = vector.shape_cast %swap3A_601 : vector<1x1x16xf32> to vector<16xf32>
        %swap3A_603 = vector.shape_cast %get3A_596 : vector<16xf32> to vector<1x1x16xf32>
        tpu.vector_store %arg8[%swap3A_598, %swap3A_599, %swap3A_600], %swap3A_603 {add = true, strides = array<i32>} : memref<3x200x128xf32, #tpu.memory_space<vmem>>, vector<1x1x16xf32>,
      }
      %scan3A_252 = arith.constant 200 : i32
      %add3A_253 = arith.addi %mul3A_2, %mul3A_220 : i32
      %dma_start3A_254 = arith.constant 0 : i32
      %dma_start3A_255 = arith.constant 0 : i32
      %dma_start3A_256 = arith.constant 0 : i32
      %dma_start3A_257 = tpu.memref_slice %arg8[%dma_start3A_254, %dma_start3A_255, %dma_start3A_256] : memref<3x200x128xf32, #tpu.memory_space<vmem>> -> memref<1x200x128xf32, #tpu.memory_space<vmem>>
      %dma_start3A_258 = tpu.memref_squeeze %dma_start3A_257 : memref<1x200x128xf32, #tpu.memory_space<vmem>> -> memref<200x128xf32, #tpu.memory_space<vmem>>
      %dma_start3A_259 = arith.constant 0 : i32
      %dma_start3A_260 = arith.constant 0 : i32
      %dma_start3A_261 = tpu.memref_slice %arg5[%add3A_253, %dma_start3A_259, %dma_start3A_260] : memref<4096x200x128xf32, #tpu.memory_space<hbm>> -> memref<1x200x128xf32, #tpu.memory_space<hbm>>
      %dma_start3A_262 = tpu.memref_squeeze %dma_start3A_261 : memref<1x200x128xf32, #tpu.memory_space<hbm>> -> memref<200x128xf32, #tpu.memory_space<hbm>>
      %dma_start3A_263 = arith.constant 0 : i32
      %dma_start3A_264 = arith.constant 0 : i32
      %dma_start3A_265 = tpu.memref_slice %arg5[%add3A_253, %dma_start3A_263, %dma_start3A_264] : memref<4096x200x128xf32, #tpu.memory_space<hbm>> -> memref<1x200x128xf32, #tpu.memory_space<hbm>>
      %dma_start3A_266 = tpu.memref_squeeze %dma_start3A_265 : memref<1x200x128xf32, #tpu.memory_space<hbm>> -> memref<200x128xf32, #tpu.memory_space<hbm>>
      %dma_start3A_267 = arith.constant 0 : i32
      %dma_start3A_268 = arith.constant 0 : i32
      %dma_start3A_269 = tpu.memref_slice %arg8[%dma_start3A_254, %dma_start3A_267, %dma_start3A_268] : memref<3x200x128xf32, #tpu.memory_space<vmem>> -> memref<1x200x128xf32, #tpu.memory_space<vmem>>
      %dma_start3A_270 = tpu.memref_squeeze %dma_start3A_269 : memref<1x200x128xf32, #tpu.memory_space<vmem>> -> memref<200x128xf32, #tpu.memory_space<vmem>>
      tpu.enqueue_dma source(%dma_start3A_270 : memref<200x128xf32, #tpu.memory_space<vmem>>) target(%dma_start3A_266 : memref<200x128xf32, #tpu.memory_space<hbm>>) target_semaphore(%arg10 : memref<!tpu.dma_semaphore, #tpu.memory_space<semaphore_mem>>)
      %ge3A = arith.constant 1 : i32
      %ge3A_271 = arith.cmpi sge, %mul3A_220, %ge3A : i32
      %convert_element_type3A = arith.extui %ge3A_271 : i1 to i32
      %cond3A = arith.constant 0 : i32
      %cond3A_272 = arith.cmpi ne, %convert_element_type3A, %cond3A : i32
      scf.if %cond3A_272 {
        %dma_wait3A_427 = arith.constant 2 : i32
        %dma_wait3A_428 = arith.constant 0 : i32
        %dma_wait3A_429 = arith.constant 0 : i32
        %dma_wait3A_430 = tpu.memref_slice %arg8[%dma_wait3A_427, %dma_wait3A_428, %dma_wait3A_429] : memref<3x200x128xf32, #tpu.memory_space<vmem>> -> memref<1x200x128xf32, #tpu.memory_space<vmem>>
        %dma_wait3A_431 = tpu.memref_squeeze %dma_wait3A_430 : memref<1x200x128xf32, #tpu.memory_space<vmem>> -> memref<200x128xf32, #tpu.memory_space<vmem>>
        %dma_wait3A_432 = arith.constant 0 : i32
        %dma_wait3A_433 = arith.constant 0 : i32
        %dma_wait3A_434 = tpu.memref_slice %arg5[%mul3A_2, %dma_wait3A_432, %dma_wait3A_433] : memref<4096x200x128xf32, #tpu.memory_space<hbm>> -> memref<1x200x128xf32, #tpu.memory_space<hbm>>
        %dma_wait3A_435 = tpu.memref_squeeze %dma_wait3A_434 : memref<1x200x128xf32, #tpu.memory_space<hbm>> -> memref<200x128xf32, #tpu.memory_space<hbm>>
        %dma_wait3A_436 = arith.constant 0 : i32
        %dma_wait3A_437 = arith.constant 0 : i32
        %dma_wait3A_438 = tpu.memref_slice %arg5[%mul3A_2, %dma_wait3A_436, %dma_wait3A_437] : memref<4096x200x128xf32, #tpu.memory_space<hbm>> -> memref<1x200x128xf32, #tpu.memory_space<hbm>>
        %dma_wait3A_439 = tpu.memref_squeeze %dma_wait3A_438 : memref<1x200x128xf32, #tpu.memory_space<hbm>> -> memref<200x128xf32, #tpu.memory_space<hbm>>
        %dma_wait3A_440 = arith.constant 0 : i32
        %dma_wait3A_441 = arith.constant 0 : i32
        %dma_wait3A_442 = tpu.memref_slice %arg8[%dma_wait3A_427, %dma_wait3A_440, %dma_wait3A_441] : memref<3x200x128xf32, #tpu.memory_space<vmem>> -> memref<1x200x128xf32, #tpu.memory_space<vmem>>
        %dma_wait3A_443 = tpu.memref_squeeze %dma_wait3A_442 : memref<1x200x128xf32, #tpu.memory_space<vmem>> -> memref<200x128xf32, #tpu.memory_space<vmem>>
        tpu.wait_dma2 semaphore(%arg12 : memref<!tpu.dma_semaphore, #tpu.memory_space<semaphore_mem>>) src(%dma_wait3A_443 : memref<200x128xf32, #tpu.memory_space<vmem>>) dst(%dma_wait3A_439 : memref<200x128xf32, #tpu.memory_space<hbm>>)
      } else {
      }
      %add3A_273 = arith.constant 2 : i32
      %add3A_274 = arith.addi %mul3A_220, %add3A_273 : i32
      %eq3A = arith.constant 64 : i32
      %eq3A_275 = arith.cmpi eq, %add3A_274, %eq3A : i32
      %convert_element_type3A_276 = arith.extui %eq3A_275 : i1 to i32
      %cond3A_277 = arith.constant 0 : i32
      %cond3A_278 = arith.cmpi ne, %convert_element_type3A_276, %cond3A_277 : i32
      scf.if %cond3A_278 {
        %add3A_427 = arith.constant 64 : i32
        %add3A_428 = arith.addi %mul3A_2, %add3A_427 : i32
        "tpu.region"() ({
          %run_scoped3A = tpu.sem_alloc : memref<!tpu.dma_semaphore, #tpu.memory_space<semaphore_mem>>
          %dma_start3A_429 = arith.constant 0 : i32
          %dma_start3A_430 = tpu.memref_slice %arg2[%add3A_428, %dma_start3A_429] : memref<4096x200xi32, #tpu.memory_space<hbm>> -> memref<64x200xi32, #tpu.memory_space<hbm>>
          %dma_start3A_431 = arith.constant 0 : i32
          %dma_start3A_432 = tpu.memref_slice %arg2[%add3A_428, %dma_start3A_431] : memref<4096x200xi32, #tpu.memory_space<hbm>> -> memref<64x200xi32, #tpu.memory_space<hbm>>
          tpu.enqueue_dma source(%dma_start3A_432 : memref<64x200xi32, #tpu.memory_space<hbm>>) target(%arg6 : memref<64x200xi32, #tpu.memory_space<vmem>>) target_semaphore(%run_scoped3A : memref<!tpu.dma_semaphore, #tpu.memory_space<semaphore_mem>>)
          %dma_wait3A_433 = arith.constant 0 : i32
          %dma_wait3A_434 = tpu.memref_slice %arg2[%add3A_428, %dma_wait3A_433] : memref<4096x200xi32, #tpu.memory_space<hbm>> -> memref<64x200xi32, #tpu.memory_space<hbm>>
          %dma_wait3A_435 = arith.constant 0 : i32
          %dma_wait3A_436 = tpu.memref_slice %arg2[%add3A_428, %dma_wait3A_435] : memref<4096x200xi32, #tpu.memory_space<hbm>> -> memref<64x200xi32, #tpu.memory_space<hbm>>
          tpu.wait_dma2 semaphore(%run_scoped3A : memref<!tpu.dma_semaphore, #tpu.memory_space<semaphore_mem>>) src(%dma_wait3A_436 : memref<64x200xi32, #tpu.memory_space<hbm>>) dst(%arg6 : memref<64x200xi32, #tpu.memory_space<vmem>>)
          tpu.yield
        }) : () -> ()
      } else {
      }
      %add3A_279 = arith.constant 2 : i32
      %add3A_280 = arith.addi %mul3A_220, %add3A_279 : i32
      %lt3A = arith.constant 128 : i32
      %lt3A_281 = arith.cmpi slt, %add3A_280, %lt3A : i32
      %convert_element_type3A_282 = arith.extui %lt3A_281 : i1 to i32
      %cond3A_283 = arith.constant 0 : i32
      %cond3A_284 = arith.cmpi ne, %convert_element_type3A_282, %cond3A_283 : i32
      scf.if %cond3A_284 {
        %add3A_427 = arith.constant 2 : i32
        %add3A_428 = arith.addi %mul3A_220, %add3A_427 : i32
        %rem3A_429 = arith.constant 64 : i32
        %rem3A_430 = arith.remsi %add3A_428, %rem3A_429 : i32
        %dma_start3A_431 = arith.constant 2 : i32
        %dma_start3A_432 = arith.constant 0 : i32
        %dma_start3A_433 = arith.constant 0 : i32
        %dma_start3A_434 = tpu.memref_slice %arg8[%dma_start3A_431, %dma_start3A_432, %dma_start3A_433] : memref<3x200x128xf32, #tpu.memory_space<vmem>> -> memref<1x128x128xf32, #tpu.memory_space<vmem>>
        %dma_start3A_435 = tpu.memref_squeeze %dma_start3A_434 : memref<1x128x128xf32, #tpu.memory_space<vmem>> -> memref<128x128xf32, #tpu.memory_space<vmem>>
        %dma_start3A_436 = arith.constant 0 : i32
        %dma_start3A_437 = tpu.memref_slice %arg6[%rem3A_430, %dma_start3A_436] : memref<64x200xi32, #tpu.memory_space<vmem>> -> memref<1x128xi32, #tpu.memory_space<vmem>>
        %dma_start3A_438 = tpu.memref_squeeze %dma_start3A_437 : memref<1x128xi32, #tpu.memory_space<vmem>> -> memref<128xi32, #tpu.memory_space<vmem>>
        %dma_start3A_439 = arith.constant 0 : i32
        %dma_start3A_440 = arith.constant 0 : i32
        %dma_start3A_441 = tpu.memref_slice %arg3[%dma_start3A_439, %dma_start3A_440] : memref<100000x128xf32, #tpu.memory_space<hbm>> -> memref<100000x128xf32, #tpu.memory_space<hbm>>
        tpu.enqueue_indirect_dma source(%dma_start3A_441 : memref<100000x128xf32, #tpu.memory_space<hbm>>) target(%dma_start3A_435 : memref<128x128xf32, #tpu.memory_space<vmem>>) offsets(%dma_start3A_438 : memref<128xi32, #tpu.memory_space<vmem>>) semaphore(%arg9 : memref<!tpu.dma_semaphore, #tpu.memory_space<semaphore_mem>>)
        %rem3A_442 = arith.constant 64 : i32
        %rem3A_443 = arith.remsi %add3A_428, %rem3A_442 : i32
        %dma_start3A_444 = arith.constant 2 : i32
        %dma_start3A_445 = arith.constant 128 : i32
        %dma_start3A_446 = arith.constant 0 : i32
        %dma_start3A_447 = tpu.memref_slice %arg8[%dma_start3A_444, %dma_start3A_445, %dma_start3A_446] : memref<3x200x128xf32, #tpu.memory_space<vmem>> -> memref<1x72x128xf32, #tpu.memory_space<vmem>>
        %dma_start3A_448 = tpu.memref_squeeze %dma_start3A_447 : memref<1x72x128xf32, #tpu.memory_space<vmem>> -> memref<72x128xf32, #tpu.memory_space<vmem>>
        %dma_start3A_449 = arith.constant 128 : i32
        %dma_start3A_450 = tpu.memref_slice %arg6[%rem3A_443, %dma_start3A_449] : memref<64x200xi32, #tpu.memory_space<vmem>> -> memref<1x72xi32, #tpu.memory_space<vmem>>
        %dma_start3A_451 = tpu.memref_squeeze %dma_start3A_450 : memref<1x72xi32, #tpu.memory_space<vmem>> -> memref<72xi32, #tpu.memory_space<vmem>>
        %dma_start3A_452 = arith.constant 0 : i32
        %dma_start3A_453 = arith.constant 0 : i32
        %dma_start3A_454 = tpu.memref_slice %arg3[%dma_start3A_452, %dma_start3A_453] : memref<100000x128xf32, #tpu.memory_space<hbm>> -> memref<100000x128xf32, #tpu.memory_space<hbm>>
        tpu.enqueue_indirect_dma source(%dma_start3A_454 : memref<100000x128xf32, #tpu.memory_space<hbm>>) target(%dma_start3A_448 : memref<72x128xf32, #tpu.memory_space<vmem>>) offsets(%dma_start3A_451 : memref<72xi32, #tpu.memory_space<vmem>>) semaphore(%arg9 : memref<!tpu.dma_semaphore, #tpu.memory_space<semaphore_mem>>)
      } else {
      }
      %add3A_285 = arith.constant 1 : i32
      %add3A_286 = arith.addi %mul3A_220, %add3A_285 : i32
      %rem3A_287 = arith.constant 64 : i32
      %rem3A_288 = arith.remsi %add3A_286, %rem3A_287 : i32
      %dma_wait3A_289 = arith.constant 1 : i32
      %dma_wait3A_290 = arith.constant 0 : i32
      %dma_wait3A_291 = arith.constant 0 : i32
      %dma_wait3A_292 = tpu.memref_slice %arg8[%dma_wait3A_289, %dma_wait3A_290, %dma_wait3A_291] : memref<3x200x128xf32, #tpu.memory_space<vmem>> -> memref<1x128x128xf32, #tpu.memory_space<vmem>>
      %dma_wait3A_293 = tpu.memref_squeeze %dma_wait3A_292 : memref<1x128x128xf32, #tpu.memory_space<vmem>> -> memref<128x128xf32, #tpu.memory_space<vmem>>
      %dma_wait3A_294 = arith.constant 0 : i32
      %dma_wait3A_295 = tpu.memref_slice %arg6[%rem3A_288, %dma_wait3A_294] : memref<64x200xi32, #tpu.memory_space<vmem>> -> memref<1x128xi32, #tpu.memory_space<vmem>>
      %dma_wait3A_296 = tpu.memref_squeeze %dma_wait3A_295 : memref<1x128xi32, #tpu.memory_space<vmem>> -> memref<128xi32, #tpu.memory_space<vmem>>
      %dma_wait3A_297 = arith.constant 0 : i32
      %dma_wait3A_298 = arith.constant 0 : i32
      %dma_wait3A_299 = tpu.memref_slice %arg3[%dma_wait3A_297, %dma_wait3A_298] : memref<100000x128xf32, #tpu.memory_space<hbm>> -> memref<100000x128xf32, #tpu.memory_space<hbm>>
      tpu.wait_indirect_dma semaphore(%arg9 : memref<!tpu.dma_semaphore, #tpu.memory_space<semaphore_mem>>) src(%dma_wait3A_299 : memref<100000x128xf32, #tpu.memory_space<hbm>>) dst(%dma_wait3A_293 : memref<128x128xf32, #tpu.memory_space<vmem>>)
      %rem3A_300 = arith.constant 64 : i32
      %rem3A_301 = arith.remsi %add3A_286, %rem3A_300 : i32
      %dma_wait3A_302 = arith.constant 1 : i32
      %dma_wait3A_303 = arith.constant 128 : i32
      %dma_wait3A_304 = arith.constant 0 : i32
      %dma_wait3A_305 = tpu.memref_slice %arg8[%dma_wait3A_302, %dma_wait3A_303, %dma_wait3A_304] : memref<3x200x128xf32, #tpu.memory_space<vmem>> -> memref<1x72x128xf32, #tpu.memory_space<vmem>>
      %dma_wait3A_306 = tpu.memref_squeeze %dma_wait3A_305 : memref<1x72x128xf32, #tpu.memory_space<vmem>> -> memref<72x128xf32, #tpu.memory_space<vmem>>
      %dma_wait3A_307 = arith.constant 128 : i32
      %dma_wait3A_308 = tpu.memref_slice %arg6[%rem3A_301, %dma_wait3A_307] : memref<64x200xi32, #tpu.memory_space<vmem>> -> memref<1x72xi32, #tpu.memory_space<vmem>>
      %dma_wait3A_309 = tpu.memref_squeeze %dma_wait3A_308 : memref<1x72xi32, #tpu.memory_space<vmem>> -> memref<72xi32, #tpu.memory_space<vmem>>
      %dma_wait3A_310 = arith.constant 0 : i32
      %dma_wait3A_311 = arith.constant 0 : i32
      %dma_wait3A_312 = tpu.memref_slice %arg3[%dma_wait3A_310, %dma_wait3A_311] : memref<100000x128xf32, #tpu.memory_space<hbm>> -> memref<100000x128xf32, #tpu.memory_space<hbm>>
      tpu.wait_indirect_dma semaphore(%arg9 : memref<!tpu.dma_semaphore, #tpu.memory_space<semaphore_mem>>) src(%dma_wait3A_312 : memref<100000x128xf32, #tpu.memory_space<hbm>>) dst(%dma_wait3A_306 : memref<72x128xf32, #tpu.memory_space<vmem>>)
      %scan3A_313 = arith.constant 0 : i32
      %scan3A_314 = arith.constant 0 : i32
      %scan3A_315 = arith.constant 200 : i32
      %scan3A_316 = arith.addi %scan3A_314, %scan3A_315 : i32
      %scan3A_317 = arith.constant 2 : i32
      scf.for %scan3A_427 = %scan3A_314 to %scan3A_316 step %scan3A_317  : i32 {
        %get3A = arith.index_cast %scan3A_427 : i32 to index
        %get3A_428 = arith.constant 0 : index
        %get3A_429 = tpu.vector_load %arg7[%get3A, %get3A_428] {strides = array<i32>} : memref<200x128xf32, #tpu.memory_space<vmem>>, vector<1x16xf32>,
        %get3A_430 = vector.shape_cast %get3A_429 : vector<1x16xf32> to vector<16xf32>
        %swap3A = arith.constant 1 : i32
        %swap3A_431 = arith.index_cast %swap3A : i32 to index
        %swap3A_432 = arith.index_cast %scan3A_427 : i32 to index
        %swap3A_433 = arith.constant 0 : index
        %swap3A_434 = tpu.vector_load %arg8[%swap3A_431, %swap3A_432, %swap3A_433] {strides = array<i32>} : memref<3x200x128xf32, #tpu.memory_space<vmem>>, vector<1x1x16xf32>,
        %swap3A_435 = vector.shape_cast %swap3A_434 : vector<1x1x16xf32> to vector<16xf32>
        %swap3A_436 = vector.shape_cast %get3A_430 : vector<16xf32> to vector<1x1x16xf32>
        tpu.vector_store %arg8[%swap3A_431, %swap3A_432, %swap3A_433], %swap3A_436 {add = true, strides = array<i32>} : memref<3x200x128xf32, #tpu.memory_space<vmem>>, vector<1x1x16xf32>,
        %get3A_437 = arith.index_cast %scan3A_427 : i32 to index
        %get3A_438 = arith.constant 16 : index
        %get3A_439 = tpu.vector_load %arg7[%get3A_437, %get3A_438] {strides = array<i32>} : memref<200x128xf32, #tpu.memory_space<vmem>>, vector<1x16xf32>,
        %get3A_440 = vector.shape_cast %get3A_439 : vector<1x16xf32> to vector<16xf32>
        %swap3A_441 = arith.constant 1 : i32
        %swap3A_442 = arith.index_cast %swap3A_441 : i32 to index
        %swap3A_443 = arith.index_cast %scan3A_427 : i32 to index
        %swap3A_444 = arith.constant 16 : index
        %swap3A_445 = tpu.vector_load %arg8[%swap3A_442, %swap3A_443, %swap3A_444] {strides = array<i32>} : memref<3x200x128xf32, #tpu.memory_space<vmem>>, vector<1x1x16xf32>,
        %swap3A_446 = vector.shape_cast %swap3A_445 : vector<1x1x16xf32> to vector<16xf32>
        %swap3A_447 = vector.shape_cast %get3A_440 : vector<16xf32> to vector<1x1x16xf32>
        tpu.vector_store %arg8[%swap3A_442, %swap3A_443, %swap3A_444], %swap3A_447 {add = true, strides = array<i32>} : memref<3x200x128xf32, #tpu.memory_space<vmem>>, vector<1x1x16xf32>,
        %get3A_448 = arith.index_cast %scan3A_427 : i32 to index
        %get3A_449 = arith.constant 32 : index
        %get3A_450 = tpu.vector_load %arg7[%get3A_448, %get3A_449] {strides = array<i32>} : memref<200x128xf32, #tpu.memory_space<vmem>>, vector<1x16xf32>,
        %get3A_451 = vector.shape_cast %get3A_450 : vector<1x16xf32> to vector<16xf32>
        %swap3A_452 = arith.constant 1 : i32
        %swap3A_453 = arith.index_cast %swap3A_452 : i32 to index
        %swap3A_454 = arith.index_cast %scan3A_427 : i32 to index
        %swap3A_455 = arith.constant 32 : index
        %swap3A_456 = tpu.vector_load %arg8[%swap3A_453, %swap3A_454, %swap3A_455] {strides = array<i32>} : memref<3x200x128xf32, #tpu.memory_space<vmem>>, vector<1x1x16xf32>,
        %swap3A_457 = vector.shape_cast %swap3A_456 : vector<1x1x16xf32> to vector<16xf32>
        %swap3A_458 = vector.shape_cast %get3A_451 : vector<16xf32> to vector<1x1x16xf32>
        tpu.vector_store %arg8[%swap3A_453, %swap3A_454, %swap3A_455], %swap3A_458 {add = true, strides = array<i32>} : memref<3x200x128xf32, #tpu.memory_space<vmem>>, vector<1x1x16xf32>,
        %get3A_459 = arith.index_cast %scan3A_427 : i32 to index
        %get3A_460 = arith.constant 48 : index
        %get3A_461 = tpu.vector_load %arg7[%get3A_459, %get3A_460] {strides = array<i32>} : memref<200x128xf32, #tpu.memory_space<vmem>>, vector<1x16xf32>,
        %get3A_462 = vector.shape_cast %get3A_461 : vector<1x16xf32> to vector<16xf32>
        %swap3A_463 = arith.constant 1 : i32
        %swap3A_464 = arith.index_cast %swap3A_463 : i32 to index
        %swap3A_465 = arith.index_cast %scan3A_427 : i32 to index
        %swap3A_466 = arith.constant 48 : index
        %swap3A_467 = tpu.vector_load %arg8[%swap3A_464, %swap3A_465, %swap3A_466] {strides = array<i32>} : memref<3x200x128xf32, #tpu.memory_space<vmem>>, vector<1x1x16xf32>,
        %swap3A_468 = vector.shape_cast %swap3A_467 : vector<1x1x16xf32> to vector<16xf32>
        %swap3A_469 = vector.shape_cast %get3A_462 : vector<16xf32> to vector<1x1x16xf32>
        tpu.vector_store %arg8[%swap3A_464, %swap3A_465, %swap3A_466], %swap3A_469 {add = true, strides = array<i32>} : memref<3x200x128xf32, #tpu.memory_space<vmem>>, vector<1x1x16xf32>,
        %get3A_470 = arith.index_cast %scan3A_427 : i32 to index
        %get3A_471 = arith.constant 64 : index
        %get3A_472 = tpu.vector_load %arg7[%get3A_470, %get3A_471] {strides = array<i32>} : memref<200x128xf32, #tpu.memory_space<vmem>>, vector<1x16xf32>,
        %get3A_473 = vector.shape_cast %get3A_472 : vector<1x16xf32> to vector<16xf32>
        %swap3A_474 = arith.constant 1 : i32
        %swap3A_475 = arith.index_cast %swap3A_474 : i32 to index
        %swap3A_476 = arith.index_cast %scan3A_427 : i32 to index
        %swap3A_477 = arith.constant 64 : index
        %swap3A_478 = tpu.vector_load %arg8[%swap3A_475, %swap3A_476, %swap3A_477] {strides = array<i32>} : memref<3x200x128xf32, #tpu.memory_space<vmem>>, vector<1x1x16xf32>,
        %swap3A_479 = vector.shape_cast %swap3A_478 : vector<1x1x16xf32> to vector<16xf32>
        %swap3A_480 = vector.shape_cast %get3A_473 : vector<16xf32> to vector<1x1x16xf32>
        tpu.vector_store %arg8[%swap3A_475, %swap3A_476, %swap3A_477], %swap3A_480 {add = true, strides = array<i32>} : memref<3x200x128xf32, #tpu.memory_space<vmem>>, vector<1x1x16xf32>,
        %get3A_481 = arith.index_cast %scan3A_427 : i32 to index
        %get3A_482 = arith.constant 80 : index
        %get3A_483 = tpu.vector_load %arg7[%get3A_481, %get3A_482] {strides = array<i32>} : memref<200x128xf32, #tpu.memory_space<vmem>>, vector<1x16xf32>,
        %get3A_484 = vector.shape_cast %get3A_483 : vector<1x16xf32> to vector<16xf32>
        %swap3A_485 = arith.constant 1 : i32
        %swap3A_486 = arith.index_cast %swap3A_485 : i32 to index
        %swap3A_487 = arith.index_cast %scan3A_427 : i32 to index
        %swap3A_488 = arith.constant 80 : index
        %swap3A_489 = tpu.vector_load %arg8[%swap3A_486, %swap3A_487, %swap3A_488] {strides = array<i32>} : memref<3x200x128xf32, #tpu.memory_space<vmem>>, vector<1x1x16xf32>,
        %swap3A_490 = vector.shape_cast %swap3A_489 : vector<1x1x16xf32> to vector<16xf32>
        %swap3A_491 = vector.shape_cast %get3A_484 : vector<16xf32> to vector<1x1x16xf32>
        tpu.vector_store %arg8[%swap3A_486, %swap3A_487, %swap3A_488], %swap3A_491 {add = true, strides = array<i32>} : memref<3x200x128xf32, #tpu.memory_space<vmem>>, vector<1x1x16xf32>,
        %get3A_492 = arith.index_cast %scan3A_427 : i32 to index
        %get3A_493 = arith.constant 96 : index
        %get3A_494 = tpu.vector_load %arg7[%get3A_492, %get3A_493] {strides = array<i32>} : memref<200x128xf32, #tpu.memory_space<vmem>>, vector<1x16xf32>,
        %get3A_495 = vector.shape_cast %get3A_494 : vector<1x16xf32> to vector<16xf32>
        %swap3A_496 = arith.constant 1 : i32
        %swap3A_497 = arith.index_cast %swap3A_496 : i32 to index
        %swap3A_498 = arith.index_cast %scan3A_427 : i32 to index
        %swap3A_499 = arith.constant 96 : index
        %swap3A_500 = tpu.vector_load %arg8[%swap3A_497, %swap3A_498, %swap3A_499] {strides = array<i32>} : memref<3x200x128xf32, #tpu.memory_space<vmem>>, vector<1x1x16xf32>,
        %swap3A_501 = vector.shape_cast %swap3A_500 : vector<1x1x16xf32> to vector<16xf32>
        %swap3A_502 = vector.shape_cast %get3A_495 : vector<16xf32> to vector<1x1x16xf32>
        tpu.vector_store %arg8[%swap3A_497, %swap3A_498, %swap3A_499], %swap3A_502 {add = true, strides = array<i32>} : memref<3x200x128xf32, #tpu.memory_space<vmem>>, vector<1x1x16xf32>,
        %get3A_503 = arith.index_cast %scan3A_427 : i32 to index
        %get3A_504 = arith.constant 112 : index
        %get3A_505 = tpu.vector_load %arg7[%get3A_503, %get3A_504] {strides = array<i32>} : memref<200x128xf32, #tpu.memory_space<vmem>>, vector<1x16xf32>,
        %get3A_506 = vector.shape_cast %get3A_505 : vector<1x16xf32> to vector<16xf32>
        %swap3A_507 = arith.constant 1 : i32
        %swap3A_508 = arith.index_cast %swap3A_507 : i32 to index
        %swap3A_509 = arith.index_cast %scan3A_427 : i32 to index
        %swap3A_510 = arith.constant 112 : index
        %swap3A_511 = tpu.vector_load %arg8[%swap3A_508, %swap3A_509, %swap3A_510] {strides = array<i32>} : memref<3x200x128xf32, #tpu.memory_space<vmem>>, vector<1x1x16xf32>,
        %swap3A_512 = vector.shape_cast %swap3A_511 : vector<1x1x16xf32> to vector<16xf32>
        %swap3A_513 = vector.shape_cast %get3A_506 : vector<16xf32> to vector<1x1x16xf32>
        tpu.vector_store %arg8[%swap3A_508, %swap3A_509, %swap3A_510], %swap3A_513 {add = true, strides = array<i32>} : memref<3x200x128xf32, #tpu.memory_space<vmem>>, vector<1x1x16xf32>,
        %scan3A_514 = arith.constant 1 : i32
        %scan3A_515 = arith.addi %scan3A_427, %scan3A_514 : i32
        %get3A_516 = arith.index_cast %scan3A_515 : i32 to index
        %get3A_517 = arith.constant 0 : index
        %get3A_518 = tpu.vector_load %arg7[%get3A_516, %get3A_517] {strides = array<i32>} : memref<200x128xf32, #tpu.memory_space<vmem>>, vector<1x16xf32>,
        %get3A_519 = vector.shape_cast %get3A_518 : vector<1x16xf32> to vector<16xf32>
        %swap3A_520 = arith.constant 1 : i32
        %swap3A_521 = arith.index_cast %swap3A_520 : i32 to index
        %swap3A_522 = arith.index_cast %scan3A_515 : i32 to index
        %swap3A_523 = arith.constant 0 : index
        %swap3A_524 = tpu.vector_load %arg8[%swap3A_521, %swap3A_522, %swap3A_523] {strides = array<i32>} : memref<3x200x128xf32, #tpu.memory_space<vmem>>, vector<1x1x16xf32>,
        %swap3A_525 = vector.shape_cast %swap3A_524 : vector<1x1x16xf32> to vector<16xf32>
        %swap3A_526 = vector.shape_cast %get3A_519 : vector<16xf32> to vector<1x1x16xf32>
        tpu.vector_store %arg8[%swap3A_521, %swap3A_522, %swap3A_523], %swap3A_526 {add = true, strides = array<i32>} : memref<3x200x128xf32, #tpu.memory_space<vmem>>, vector<1x1x16xf32>,
        %get3A_527 = arith.index_cast %scan3A_515 : i32 to index
        %get3A_528 = arith.constant 16 : index
        %get3A_529 = tpu.vector_load %arg7[%get3A_527, %get3A_528] {strides = array<i32>} : memref<200x128xf32, #tpu.memory_space<vmem>>, vector<1x16xf32>,
        %get3A_530 = vector.shape_cast %get3A_529 : vector<1x16xf32> to vector<16xf32>
        %swap3A_531 = arith.constant 1 : i32
        %swap3A_532 = arith.index_cast %swap3A_531 : i32 to index
        %swap3A_533 = arith.index_cast %scan3A_515 : i32 to index
        %swap3A_534 = arith.constant 16 : index
        %swap3A_535 = tpu.vector_load %arg8[%swap3A_532, %swap3A_533, %swap3A_534] {strides = array<i32>} : memref<3x200x128xf32, #tpu.memory_space<vmem>>, vector<1x1x16xf32>,
        %swap3A_536 = vector.shape_cast %swap3A_535 : vector<1x1x16xf32> to vector<16xf32>
        %swap3A_537 = vector.shape_cast %get3A_530 : vector<16xf32> to vector<1x1x16xf32>
        tpu.vector_store %arg8[%swap3A_532, %swap3A_533, %swap3A_534], %swap3A_537 {add = true, strides = array<i32>} : memref<3x200x128xf32, #tpu.memory_space<vmem>>, vector<1x1x16xf32>,
        %get3A_538 = arith.index_cast %scan3A_515 : i32 to index
        %get3A_539 = arith.constant 32 : index
        %get3A_540 = tpu.vector_load %arg7[%get3A_538, %get3A_539] {strides = array<i32>} : memref<200x128xf32, #tpu.memory_space<vmem>>, vector<1x16xf32>,
        %get3A_541 = vector.shape_cast %get3A_540 : vector<1x16xf32> to vector<16xf32>
        %swap3A_542 = arith.constant 1 : i32
        %swap3A_543 = arith.index_cast %swap3A_542 : i32 to index
        %swap3A_544 = arith.index_cast %scan3A_515 : i32 to index
        %swap3A_545 = arith.constant 32 : index
        %swap3A_546 = tpu.vector_load %arg8[%swap3A_543, %swap3A_544, %swap3A_545] {strides = array<i32>} : memref<3x200x128xf32, #tpu.memory_space<vmem>>, vector<1x1x16xf32>,
        %swap3A_547 = vector.shape_cast %swap3A_546 : vector<1x1x16xf32> to vector<16xf32>
        %swap3A_548 = vector.shape_cast %get3A_541 : vector<16xf32> to vector<1x1x16xf32>
        tpu.vector_store %arg8[%swap3A_543, %swap3A_544, %swap3A_545], %swap3A_548 {add = true, strides = array<i32>} : memref<3x200x128xf32, #tpu.memory_space<vmem>>, vector<1x1x16xf32>,
        %get3A_549 = arith.index_cast %scan3A_515 : i32 to index
        %get3A_550 = arith.constant 48 : index
        %get3A_551 = tpu.vector_load %arg7[%get3A_549, %get3A_550] {strides = array<i32>} : memref<200x128xf32, #tpu.memory_space<vmem>>, vector<1x16xf32>,
        %get3A_552 = vector.shape_cast %get3A_551 : vector<1x16xf32> to vector<16xf32>
        %swap3A_553 = arith.constant 1 : i32
        %swap3A_554 = arith.index_cast %swap3A_553 : i32 to index
        %swap3A_555 = arith.index_cast %scan3A_515 : i32 to index
        %swap3A_556 = arith.constant 48 : index
        %swap3A_557 = tpu.vector_load %arg8[%swap3A_554, %swap3A_555, %swap3A_556] {strides = array<i32>} : memref<3x200x128xf32, #tpu.memory_space<vmem>>, vector<1x1x16xf32>,
        %swap3A_558 = vector.shape_cast %swap3A_557 : vector<1x1x16xf32> to vector<16xf32>
        %swap3A_559 = vector.shape_cast %get3A_552 : vector<16xf32> to vector<1x1x16xf32>
        tpu.vector_store %arg8[%swap3A_554, %swap3A_555, %swap3A_556], %swap3A_559 {add = true, strides = array<i32>} : memref<3x200x128xf32, #tpu.memory_space<vmem>>, vector<1x1x16xf32>,
        %get3A_560 = arith.index_cast %scan3A_515 : i32 to index
        %get3A_561 = arith.constant 64 : index
        %get3A_562 = tpu.vector_load %arg7[%get3A_560, %get3A_561] {strides = array<i32>} : memref<200x128xf32, #tpu.memory_space<vmem>>, vector<1x16xf32>,
        %get3A_563 = vector.shape_cast %get3A_562 : vector<1x16xf32> to vector<16xf32>
        %swap3A_564 = arith.constant 1 : i32
        %swap3A_565 = arith.index_cast %swap3A_564 : i32 to index
        %swap3A_566 = arith.index_cast %scan3A_515 : i32 to index
        %swap3A_567 = arith.constant 64 : index
        %swap3A_568 = tpu.vector_load %arg8[%swap3A_565, %swap3A_566, %swap3A_567] {strides = array<i32>} : memref<3x200x128xf32, #tpu.memory_space<vmem>>, vector<1x1x16xf32>,
        %swap3A_569 = vector.shape_cast %swap3A_568 : vector<1x1x16xf32> to vector<16xf32>
        %swap3A_570 = vector.shape_cast %get3A_563 : vector<16xf32> to vector<1x1x16xf32>
        tpu.vector_store %arg8[%swap3A_565, %swap3A_566, %swap3A_567], %swap3A_570 {add = true, strides = array<i32>} : memref<3x200x128xf32, #tpu.memory_space<vmem>>, vector<1x1x16xf32>,
        %get3A_571 = arith.index_cast %scan3A_515 : i32 to index
        %get3A_572 = arith.constant 80 : index
        %get3A_573 = tpu.vector_load %arg7[%get3A_571, %get3A_572] {strides = array<i32>} : memref<200x128xf32, #tpu.memory_space<vmem>>, vector<1x16xf32>,
        %get3A_574 = vector.shape_cast %get3A_573 : vector<1x16xf32> to vector<16xf32>
        %swap3A_575 = arith.constant 1 : i32
        %swap3A_576 = arith.index_cast %swap3A_575 : i32 to index
        %swap3A_577 = arith.index_cast %scan3A_515 : i32 to index
        %swap3A_578 = arith.constant 80 : index
        %swap3A_579 = tpu.vector_load %arg8[%swap3A_576, %swap3A_577, %swap3A_578] {strides = array<i32>} : memref<3x200x128xf32, #tpu.memory_space<vmem>>, vector<1x1x16xf32>,
        %swap3A_580 = vector.shape_cast %swap3A_579 : vector<1x1x16xf32> to vector<16xf32>
        %swap3A_581 = vector.shape_cast %get3A_574 : vector<16xf32> to vector<1x1x16xf32>
        tpu.vector_store %arg8[%swap3A_576, %swap3A_577, %swap3A_578], %swap3A_581 {add = true, strides = array<i32>} : memref<3x200x128xf32, #tpu.memory_space<vmem>>, vector<1x1x16xf32>,
        %get3A_582 = arith.index_cast %scan3A_515 : i32 to index
        %get3A_583 = arith.constant 96 : index
        %get3A_584 = tpu.vector_load %arg7[%get3A_582, %get3A_583] {strides = array<i32>} : memref<200x128xf32, #tpu.memory_space<vmem>>, vector<1x16xf32>,
        %get3A_585 = vector.shape_cast %get3A_584 : vector<1x16xf32> to vector<16xf32>
        %swap3A_586 = arith.constant 1 : i32
        %swap3A_587 = arith.index_cast %swap3A_586 : i32 to index
        %swap3A_588 = arith.index_cast %scan3A_515 : i32 to index
        %swap3A_589 = arith.constant 96 : index
        %swap3A_590 = tpu.vector_load %arg8[%swap3A_587, %swap3A_588, %swap3A_589] {strides = array<i32>} : memref<3x200x128xf32, #tpu.memory_space<vmem>>, vector<1x1x16xf32>,
        %swap3A_591 = vector.shape_cast %swap3A_590 : vector<1x1x16xf32> to vector<16xf32>
        %swap3A_592 = vector.shape_cast %get3A_585 : vector<16xf32> to vector<1x1x16xf32>
        tpu.vector_store %arg8[%swap3A_587, %swap3A_588, %swap3A_589], %swap3A_592 {add = true, strides = array<i32>} : memref<3x200x128xf32, #tpu.memory_space<vmem>>, vector<1x1x16xf32>,
        %get3A_593 = arith.index_cast %scan3A_515 : i32 to index
        %get3A_594 = arith.constant 112 : index
        %get3A_595 = tpu.vector_load %arg7[%get3A_593, %get3A_594] {strides = array<i32>} : memref<200x128xf32, #tpu.memory_space<vmem>>, vector<1x16xf32>,
        %get3A_596 = vector.shape_cast %get3A_595 : vector<1x16xf32> to vector<16xf32>
        %swap3A_597 = arith.constant 1 : i32
        %swap3A_598 = arith.index_cast %swap3A_597 : i32 to index
        %swap3A_599 = arith.index_cast %scan3A_515 : i32 to index
        %swap3A_600 = arith.constant 112 : index
        %swap3A_601 = tpu.vector_load %arg8[%swap3A_598, %swap3A_599, %swap3A_600] {strides = array<i32>} : memref<3x200x128xf32, #tpu.memory_space<vmem>>, vector<1x1x16xf32>,
        %swap3A_602 = vector.shape_cast %swap3A_601 : vector<1x1x16xf32> to vector<16xf32>
        %swap3A_603 = vector.shape_cast %get3A_596 : vector<16xf32> to vector<1x1x16xf32>
        tpu.vector_store %arg8[%swap3A_598, %swap3A_599, %swap3A_600], %swap3A_603 {add = true, strides = array<i32>} : memref<3x200x128xf32, #tpu.memory_space<vmem>>, vector<1x1x16xf32>,
      }
      %scan3A_318 = arith.constant 200 : i32
      %add3A_319 = arith.addi %mul3A_2, %add3A_286 : i32
      %dma_start3A_320 = arith.constant 1 : i32
      %dma_start3A_321 = arith.constant 0 : i32
      %dma_start3A_322 = arith.constant 0 : i32
      %dma_start3A_323 = tpu.memref_slice %arg8[%dma_start3A_320, %dma_start3A_321, %dma_start3A_322] : memref<3x200x128xf32, #tpu.memory_space<vmem>> -> memref<1x200x128xf32, #tpu.memory_space<vmem>>
      %dma_start3A_324 = tpu.memref_squeeze %dma_start3A_323 : memref<1x200x128xf32, #tpu.memory_space<vmem>> -> memref<200x128xf32, #tpu.memory_space<vmem>>
      %dma_start3A_325 = arith.constant 0 : i32
      %dma_start3A_326 = arith.constant 0 : i32
      %dma_start3A_327 = tpu.memref_slice %arg5[%add3A_319, %dma_start3A_325, %dma_start3A_326] : memref<4096x200x128xf32, #tpu.memory_space<hbm>> -> memref<1x200x128xf32, #tpu.memory_space<hbm>>
      %dma_start3A_328 = tpu.memref_squeeze %dma_start3A_327 : memref<1x200x128xf32, #tpu.memory_space<hbm>> -> memref<200x128xf32, #tpu.memory_space<hbm>>
      %dma_start3A_329 = arith.constant 0 : i32
      %dma_start3A_330 = arith.constant 0 : i32
      %dma_start3A_331 = tpu.memref_slice %arg5[%add3A_319, %dma_start3A_329, %dma_start3A_330] : memref<4096x200x128xf32, #tpu.memory_space<hbm>> -> memref<1x200x128xf32, #tpu.memory_space<hbm>>
      %dma_start3A_332 = tpu.memref_squeeze %dma_start3A_331 : memref<1x200x128xf32, #tpu.memory_space<hbm>> -> memref<200x128xf32, #tpu.memory_space<hbm>>
      %dma_start3A_333 = arith.constant 0 : i32
      %dma_start3A_334 = arith.constant 0 : i32
      %dma_start3A_335 = tpu.memref_slice %arg8[%dma_start3A_320, %dma_start3A_333, %dma_start3A_334] : memref<3x200x128xf32, #tpu.memory_space<vmem>> -> memref<1x200x128xf32, #tpu.memory_space<vmem>>
      %dma_start3A_336 = tpu.memref_squeeze %dma_start3A_335 : memref<1x200x128xf32, #tpu.memory_space<vmem>> -> memref<200x128xf32, #tpu.memory_space<vmem>>
      tpu.enqueue_dma source(%dma_start3A_336 : memref<200x128xf32, #tpu.memory_space<vmem>>) target(%dma_start3A_332 : memref<200x128xf32, #tpu.memory_space<hbm>>) target_semaphore(%arg11 : memref<!tpu.dma_semaphore, #tpu.memory_space<semaphore_mem>>)
      %ge3A_337 = arith.constant 1 : i32
      %ge3A_338 = arith.cmpi sge, %add3A_286, %ge3A_337 : i32
      %convert_element_type3A_339 = arith.extui %ge3A_338 : i1 to i32
      %cond3A_340 = arith.constant 0 : i32
      %cond3A_341 = arith.cmpi ne, %convert_element_type3A_339, %cond3A_340 : i32
      scf.if %cond3A_341 {
        %dma_wait3A_427 = arith.constant 0 : i32
        %dma_wait3A_428 = arith.constant 0 : i32
        %dma_wait3A_429 = arith.constant 0 : i32
        %dma_wait3A_430 = tpu.memref_slice %arg8[%dma_wait3A_427, %dma_wait3A_428, %dma_wait3A_429] : memref<3x200x128xf32, #tpu.memory_space<vmem>> -> memref<1x200x128xf32, #tpu.memory_space<vmem>>
        %dma_wait3A_431 = tpu.memref_squeeze %dma_wait3A_430 : memref<1x200x128xf32, #tpu.memory_space<vmem>> -> memref<200x128xf32, #tpu.memory_space<vmem>>
        %dma_wait3A_432 = arith.constant 0 : i32
        %dma_wait3A_433 = arith.constant 0 : i32
        %dma_wait3A_434 = tpu.memref_slice %arg5[%mul3A_2, %dma_wait3A_432, %dma_wait3A_433] : memref<4096x200x128xf32, #tpu.memory_space<hbm>> -> memref<1x200x128xf32, #tpu.memory_space<hbm>>
        %dma_wait3A_435 = tpu.memref_squeeze %dma_wait3A_434 : memref<1x200x128xf32, #tpu.memory_space<hbm>> -> memref<200x128xf32, #tpu.memory_space<hbm>>
        %dma_wait3A_436 = arith.constant 0 : i32
        %dma_wait3A_437 = arith.constant 0 : i32
        %dma_wait3A_438 = tpu.memref_slice %arg5[%mul3A_2, %dma_wait3A_436, %dma_wait3A_437] : memref<4096x200x128xf32, #tpu.memory_space<hbm>> -> memref<1x200x128xf32, #tpu.memory_space<hbm>>
        %dma_wait3A_439 = tpu.memref_squeeze %dma_wait3A_438 : memref<1x200x128xf32, #tpu.memory_space<hbm>> -> memref<200x128xf32, #tpu.memory_space<hbm>>
        %dma_wait3A_440 = arith.constant 0 : i32
        %dma_wait3A_441 = arith.constant 0 : i32
        %dma_wait3A_442 = tpu.memref_slice %arg8[%dma_wait3A_427, %dma_wait3A_440, %dma_wait3A_441] : memref<3x200x128xf32, #tpu.memory_space<vmem>> -> memref<1x200x128xf32, #tpu.memory_space<vmem>>
        %dma_wait3A_443 = tpu.memref_squeeze %dma_wait3A_442 : memref<1x200x128xf32, #tpu.memory_space<vmem>> -> memref<200x128xf32, #tpu.memory_space<vmem>>
        tpu.wait_dma2 semaphore(%arg10 : memref<!tpu.dma_semaphore, #tpu.memory_space<semaphore_mem>>) src(%dma_wait3A_443 : memref<200x128xf32, #tpu.memory_space<vmem>>) dst(%dma_wait3A_439 : memref<200x128xf32, #tpu.memory_space<hbm>>)
      } else {
      }
      %add3A_342 = arith.constant 2 : i32
      %add3A_343 = arith.addi %add3A_286, %add3A_342 : i32
      %eq3A_344 = arith.constant 64 : i32
      %eq3A_345 = arith.cmpi eq, %add3A_343, %eq3A_344 : i32
      %convert_element_type3A_346 = arith.extui %eq3A_345 : i1 to i32
      %cond3A_347 = arith.constant 0 : i32
      %cond3A_348 = arith.cmpi ne, %convert_element_type3A_346, %cond3A_347 : i32
      scf.if %cond3A_348 {
        %add3A_427 = arith.constant 64 : i32
        %add3A_428 = arith.addi %mul3A_2, %add3A_427 : i32
        "tpu.region"() ({
          %run_scoped3A = tpu.sem_alloc : memref<!tpu.dma_semaphore, #tpu.memory_space<semaphore_mem>>
          %dma_start3A_429 = arith.constant 0 : i32
          %dma_start3A_430 = tpu.memref_slice %arg2[%add3A_428, %dma_start3A_429] : memref<4096x200xi32, #tpu.memory_space<hbm>> -> memref<64x200xi32, #tpu.memory_space<hbm>>
          %dma_start3A_431 = arith.constant 0 : i32
          %dma_start3A_432 = tpu.memref_slice %arg2[%add3A_428, %dma_start3A_431] : memref<4096x200xi32, #tpu.memory_space<hbm>> -> memref<64x200xi32, #tpu.memory_space<hbm>>
          tpu.enqueue_dma source(%dma_start3A_432 : memref<64x200xi32, #tpu.memory_space<hbm>>) target(%arg6 : memref<64x200xi32, #tpu.memory_space<vmem>>) target_semaphore(%run_scoped3A : memref<!tpu.dma_semaphore, #tpu.memory_space<semaphore_mem>>)
          %dma_wait3A_433 = arith.constant 0 : i32
          %dma_wait3A_434 = tpu.memref_slice %arg2[%add3A_428, %dma_wait3A_433] : memref<4096x200xi32, #tpu.memory_space<hbm>> -> memref<64x200xi32, #tpu.memory_space<hbm>>
          %dma_wait3A_435 = arith.constant 0 : i32
          %dma_wait3A_436 = tpu.memref_slice %arg2[%add3A_428, %dma_wait3A_435] : memref<4096x200xi32, #tpu.memory_space<hbm>> -> memref<64x200xi32, #tpu.memory_space<hbm>>
          tpu.wait_dma2 semaphore(%run_scoped3A : memref<!tpu.dma_semaphore, #tpu.memory_space<semaphore_mem>>) src(%dma_wait3A_436 : memref<64x200xi32, #tpu.memory_space<hbm>>) dst(%arg6 : memref<64x200xi32, #tpu.memory_space<vmem>>)
          tpu.yield
        }) : () -> ()
      } else {
      }
      %add3A_349 = arith.constant 2 : i32
      %add3A_350 = arith.addi %add3A_286, %add3A_349 : i32
      %lt3A_351 = arith.constant 128 : i32
      %lt3A_352 = arith.cmpi slt, %add3A_350, %lt3A_351 : i32
      %convert_element_type3A_353 = arith.extui %lt3A_352 : i1 to i32
      %cond3A_354 = arith.constant 0 : i32
      %cond3A_355 = arith.cmpi ne, %convert_element_type3A_353, %cond3A_354 : i32
      scf.if %cond3A_355 {
        %add3A_427 = arith.constant 2 : i32
        %add3A_428 = arith.addi %add3A_286, %add3A_427 : i32
        %rem3A_429 = arith.constant 64 : i32
        %rem3A_430 = arith.remsi %add3A_428, %rem3A_429 : i32
        %dma_start3A_431 = arith.constant 0 : i32
        %dma_start3A_432 = arith.constant 0 : i32
        %dma_start3A_433 = arith.constant 0 : i32
        %dma_start3A_434 = tpu.memref_slice %arg8[%dma_start3A_431, %dma_start3A_432, %dma_start3A_433] : memref<3x200x128xf32, #tpu.memory_space<vmem>> -> memref<1x128x128xf32, #tpu.memory_space<vmem>>
        %dma_start3A_435 = tpu.memref_squeeze %dma_start3A_434 : memref<1x128x128xf32, #tpu.memory_space<vmem>> -> memref<128x128xf32, #tpu.memory_space<vmem>>
        %dma_start3A_436 = arith.constant 0 : i32
        %dma_start3A_437 = tpu.memref_slice %arg6[%rem3A_430, %dma_start3A_436] : memref<64x200xi32, #tpu.memory_space<vmem>> -> memref<1x128xi32, #tpu.memory_space<vmem>>
        %dma_start3A_438 = tpu.memref_squeeze %dma_start3A_437 : memref<1x128xi32, #tpu.memory_space<vmem>> -> memref<128xi32, #tpu.memory_space<vmem>>
        %dma_start3A_439 = arith.constant 0 : i32
        %dma_start3A_440 = arith.constant 0 : i32
        %dma_start3A_441 = tpu.memref_slice %arg3[%dma_start3A_439, %dma_start3A_440] : memref<100000x128xf32, #tpu.memory_space<hbm>> -> memref<100000x128xf32, #tpu.memory_space<hbm>>
        tpu.enqueue_indirect_dma source(%dma_start3A_441 : memref<100000x128xf32, #tpu.memory_space<hbm>>) target(%dma_start3A_435 : memref<128x128xf32, #tpu.memory_space<vmem>>) offsets(%dma_start3A_438 : memref<128xi32, #tpu.memory_space<vmem>>) semaphore(%arg9 : memref<!tpu.dma_semaphore, #tpu.memory_space<semaphore_mem>>)
        %rem3A_442 = arith.constant 64 : i32
        %rem3A_443 = arith.remsi %add3A_428, %rem3A_442 : i32
        %dma_start3A_444 = arith.constant 0 : i32
        %dma_start3A_445 = arith.constant 128 : i32
        %dma_start3A_446 = arith.constant 0 : i32
        %dma_start3A_447 = tpu.memref_slice %arg8[%dma_start3A_444, %dma_start3A_445, %dma_start3A_446] : memref<3x200x128xf32, #tpu.memory_space<vmem>> -> memref<1x72x128xf32, #tpu.memory_space<vmem>>
        %dma_start3A_448 = tpu.memref_squeeze %dma_start3A_447 : memref<1x72x128xf32, #tpu.memory_space<vmem>> -> memref<72x128xf32, #tpu.memory_space<vmem>>
        %dma_start3A_449 = arith.constant 128 : i32
        %dma_start3A_450 = tpu.memref_slice %arg6[%rem3A_443, %dma_start3A_449] : memref<64x200xi32, #tpu.memory_space<vmem>> -> memref<1x72xi32, #tpu.memory_space<vmem>>
        %dma_start3A_451 = tpu.memref_squeeze %dma_start3A_450 : memref<1x72xi32, #tpu.memory_space<vmem>> -> memref<72xi32, #tpu.memory_space<vmem>>
        %dma_start3A_452 = arith.constant 0 : i32
        %dma_start3A_453 = arith.constant 0 : i32
        %dma_start3A_454 = tpu.memref_slice %arg3[%dma_start3A_452, %dma_start3A_453] : memref<100000x128xf32, #tpu.memory_space<hbm>> -> memref<100000x128xf32, #tpu.memory_space<hbm>>
        tpu.enqueue_indirect_dma source(%dma_start3A_454 : memref<100000x128xf32, #tpu.memory_space<hbm>>) target(%dma_start3A_448 : memref<72x128xf32, #tpu.memory_space<vmem>>) offsets(%dma_start3A_451 : memref<72xi32, #tpu.memory_space<vmem>>) semaphore(%arg9 : memref<!tpu.dma_semaphore, #tpu.memory_space<semaphore_mem>>)
      } else {
      }
      %add3A_356 = arith.constant 2 : i32
      %add3A_357 = arith.addi %mul3A_220, %add3A_356 : i32
      %rem3A_358 = arith.constant 64 : i32
      %rem3A_359 = arith.remsi %add3A_357, %rem3A_358 : i32
      %dma_wait3A_360 = arith.constant 2 : i32
      %dma_wait3A_361 = arith.constant 0 : i32
      %dma_wait3A_362 = arith.constant 0 : i32
      %dma_wait3A_363 = tpu.memref_slice %arg8[%dma_wait3A_360, %dma_wait3A_361, %dma_wait3A_362] : memref<3x200x128xf32, #tpu.memory_space<vmem>> -> memref<1x128x128xf32, #tpu.memory_space<vmem>>
      %dma_wait3A_364 = tpu.memref_squeeze %dma_wait3A_363 : memref<1x128x128xf32, #tpu.memory_space<vmem>> -> memref<128x128xf32, #tpu.memory_space<vmem>>
      %dma_wait3A_365 = arith.constant 0 : i32
      %dma_wait3A_366 = tpu.memref_slice %arg6[%rem3A_359, %dma_wait3A_365] : memref<64x200xi32, #tpu.memory_space<vmem>> -> memref<1x128xi32, #tpu.memory_space<vmem>>
      %dma_wait3A_367 = tpu.memref_squeeze %dma_wait3A_366 : memref<1x128xi32, #tpu.memory_space<vmem>> -> memref<128xi32, #tpu.memory_space<vmem>>
      %dma_wait3A_368 = arith.constant 0 : i32
      %dma_wait3A_369 = arith.constant 0 : i32
      %dma_wait3A_370 = tpu.memref_slice %arg3[%dma_wait3A_368, %dma_wait3A_369] : memref<100000x128xf32, #tpu.memory_space<hbm>> -> memref<100000x128xf32, #tpu.memory_space<hbm>>
      tpu.wait_indirect_dma semaphore(%arg9 : memref<!tpu.dma_semaphore, #tpu.memory_space<semaphore_mem>>) src(%dma_wait3A_370 : memref<100000x128xf32, #tpu.memory_space<hbm>>) dst(%dma_wait3A_364 : memref<128x128xf32, #tpu.memory_space<vmem>>)
      %rem3A_371 = arith.constant 64 : i32
      %rem3A_372 = arith.remsi %add3A_357, %rem3A_371 : i32
      %dma_wait3A_373 = arith.constant 2 : i32
      %dma_wait3A_374 = arith.constant 128 : i32
      %dma_wait3A_375 = arith.constant 0 : i32
      %dma_wait3A_376 = tpu.memref_slice %arg8[%dma_wait3A_373, %dma_wait3A_374, %dma_wait3A_375] : memref<3x200x128xf32, #tpu.memory_space<vmem>> -> memref<1x72x128xf32, #tpu.memory_space<vmem>>
      %dma_wait3A_377 = tpu.memref_squeeze %dma_wait3A_376 : memref<1x72x128xf32, #tpu.memory_space<vmem>> -> memref<72x128xf32, #tpu.memory_space<vmem>>
      %dma_wait3A_378 = arith.constant 128 : i32
      %dma_wait3A_379 = tpu.memref_slice %arg6[%rem3A_372, %dma_wait3A_378] : memref<64x200xi32, #tpu.memory_space<vmem>> -> memref<1x72xi32, #tpu.memory_space<vmem>>
      %dma_wait3A_380 = tpu.memref_squeeze %dma_wait3A_379 : memref<1x72xi32, #tpu.memory_space<vmem>> -> memref<72xi32, #tpu.memory_space<vmem>>
      %dma_wait3A_381 = arith.constant 0 : i32
      %dma_wait3A_382 = arith.constant 0 : i32
      %dma_wait3A_383 = tpu.memref_slice %arg3[%dma_wait3A_381, %dma_wait3A_382] : memref<100000x128xf32, #tpu.memory_space<hbm>> -> memref<100000x128xf32, #tpu.memory_space<hbm>>
      tpu.wait_indirect_dma semaphore(%arg9 : memref<!tpu.dma_semaphore, #tpu.memory_space<semaphore_mem>>) src(%dma_wait3A_383 : memref<100000x128xf32, #tpu.memory_space<hbm>>) dst(%dma_wait3A_377 : memref<72x128xf32, #tpu.memory_space<vmem>>)
      %scan3A_384 = arith.constant 0 : i32
      %scan3A_385 = arith.constant 0 : i32
      %scan3A_386 = arith.constant 200 : i32
      %scan3A_387 = arith.addi %scan3A_385, %scan3A_386 : i32
      %scan3A_388 = arith.constant 2 : i32
      scf.for %scan3A_427 = %scan3A_385 to %scan3A_387 step %scan3A_388  : i32 {
        %get3A = arith.index_cast %scan3A_427 : i32 to index
        %get3A_428 = arith.constant 0 : index
        %get3A_429 = tpu.vector_load %arg7[%get3A, %get3A_428] {strides = array<i32>} : memref<200x128xf32, #tpu.memory_space<vmem>>, vector<1x16xf32>,
        %get3A_430 = vector.shape_cast %get3A_429 : vector<1x16xf32> to vector<16xf32>
        %swap3A = arith.constant 2 : i32
        %swap3A_431 = arith.index_cast %swap3A : i32 to index
        %swap3A_432 = arith.index_cast %scan3A_427 : i32 to index
        %swap3A_433 = arith.constant 0 : index
        %swap3A_434 = tpu.vector_load %arg8[%swap3A_431, %swap3A_432, %swap3A_433] {strides = array<i32>} : memref<3x200x128xf32, #tpu.memory_space<vmem>>, vector<1x1x16xf32>,
        %swap3A_435 = vector.shape_cast %swap3A_434 : vector<1x1x16xf32> to vector<16xf32>
        %swap3A_436 = vector.shape_cast %get3A_430 : vector<16xf32> to vector<1x1x16xf32>
        tpu.vector_store %arg8[%swap3A_431, %swap3A_432, %swap3A_433], %swap3A_436 {add = true, strides = array<i32>} : memref<3x200x128xf32, #tpu.memory_space<vmem>>, vector<1x1x16xf32>,
        %get3A_437 = arith.index_cast %scan3A_427 : i32 to index
        %get3A_438 = arith.constant 16 : index
        %get3A_439 = tpu.vector_load %arg7[%get3A_437, %get3A_438] {strides = array<i32>} : memref<200x128xf32, #tpu.memory_space<vmem>>, vector<1x16xf32>,
        %get3A_440 = vector.shape_cast %get3A_439 : vector<1x16xf32> to vector<16xf32>
        %swap3A_441 = arith.constant 2 : i32
        %swap3A_442 = arith.index_cast %swap3A_441 : i32 to index
        %swap3A_443 = arith.index_cast %scan3A_427 : i32 to index
        %swap3A_444 = arith.constant 16 : index
        %swap3A_445 = tpu.vector_load %arg8[%swap3A_442, %swap3A_443, %swap3A_444] {strides = array<i32>} : memref<3x200x128xf32, #tpu.memory_space<vmem>>, vector<1x1x16xf32>,
        %swap3A_446 = vector.shape_cast %swap3A_445 : vector<1x1x16xf32> to vector<16xf32>
        %swap3A_447 = vector.shape_cast %get3A_440 : vector<16xf32> to vector<1x1x16xf32>
        tpu.vector_store %arg8[%swap3A_442, %swap3A_443, %swap3A_444], %swap3A_447 {add = true, strides = array<i32>} : memref<3x200x128xf32, #tpu.memory_space<vmem>>, vector<1x1x16xf32>,
        %get3A_448 = arith.index_cast %scan3A_427 : i32 to index
        %get3A_449 = arith.constant 32 : index
        %get3A_450 = tpu.vector_load %arg7[%get3A_448, %get3A_449] {strides = array<i32>} : memref<200x128xf32, #tpu.memory_space<vmem>>, vector<1x16xf32>,
        %get3A_451 = vector.shape_cast %get3A_450 : vector<1x16xf32> to vector<16xf32>
        %swap3A_452 = arith.constant 2 : i32
        %swap3A_453 = arith.index_cast %swap3A_452 : i32 to index
        %swap3A_454 = arith.index_cast %scan3A_427 : i32 to index
        %swap3A_455 = arith.constant 32 : index
        %swap3A_456 = tpu.vector_load %arg8[%swap3A_453, %swap3A_454, %swap3A_455] {strides = array<i32>} : memref<3x200x128xf32, #tpu.memory_space<vmem>>, vector<1x1x16xf32>,
        %swap3A_457 = vector.shape_cast %swap3A_456 : vector<1x1x16xf32> to vector<16xf32>
        %swap3A_458 = vector.shape_cast %get3A_451 : vector<16xf32> to vector<1x1x16xf32>
        tpu.vector_store %arg8[%swap3A_453, %swap3A_454, %swap3A_455], %swap3A_458 {add = true, strides = array<i32>} : memref<3x200x128xf32, #tpu.memory_space<vmem>>, vector<1x1x16xf32>,
        %get3A_459 = arith.index_cast %scan3A_427 : i32 to index
        %get3A_460 = arith.constant 48 : index
        %get3A_461 = tpu.vector_load %arg7[%get3A_459, %get3A_460] {strides = array<i32>} : memref<200x128xf32, #tpu.memory_space<vmem>>, vector<1x16xf32>,
        %get3A_462 = vector.shape_cast %get3A_461 : vector<1x16xf32> to vector<16xf32>
        %swap3A_463 = arith.constant 2 : i32
        %swap3A_464 = arith.index_cast %swap3A_463 : i32 to index
        %swap3A_465 = arith.index_cast %scan3A_427 : i32 to index
        %swap3A_466 = arith.constant 48 : index
        %swap3A_467 = tpu.vector_load %arg8[%swap3A_464, %swap3A_465, %swap3A_466] {strides = array<i32>} : memref<3x200x128xf32, #tpu.memory_space<vmem>>, vector<1x1x16xf32>,
        %swap3A_468 = vector.shape_cast %swap3A_467 : vector<1x1x16xf32> to vector<16xf32>
        %swap3A_469 = vector.shape_cast %get3A_462 : vector<16xf32> to vector<1x1x16xf32>
        tpu.vector_store %arg8[%swap3A_464, %swap3A_465, %swap3A_466], %swap3A_469 {add = true, strides = array<i32>} : memref<3x200x128xf32, #tpu.memory_space<vmem>>, vector<1x1x16xf32>,
        %get3A_470 = arith.index_cast %scan3A_427 : i32 to index
        %get3A_471 = arith.constant 64 : index
        %get3A_472 = tpu.vector_load %arg7[%get3A_470, %get3A_471] {strides = array<i32>} : memref<200x128xf32, #tpu.memory_space<vmem>>, vector<1x16xf32>,
        %get3A_473 = vector.shape_cast %get3A_472 : vector<1x16xf32> to vector<16xf32>
        %swap3A_474 = arith.constant 2 : i32
        %swap3A_475 = arith.index_cast %swap3A_474 : i32 to index
        %swap3A_476 = arith.index_cast %scan3A_427 : i32 to index
        %swap3A_477 = arith.constant 64 : index
        %swap3A_478 = tpu.vector_load %arg8[%swap3A_475, %swap3A_476, %swap3A_477] {strides = array<i32>} : memref<3x200x128xf32, #tpu.memory_space<vmem>>, vector<1x1x16xf32>,
        %swap3A_479 = vector.shape_cast %swap3A_478 : vector<1x1x16xf32> to vector<16xf32>
        %swap3A_480 = vector.shape_cast %get3A_473 : vector<16xf32> to vector<1x1x16xf32>
        tpu.vector_store %arg8[%swap3A_475, %swap3A_476, %swap3A_477], %swap3A_480 {add = true, strides = array<i32>} : memref<3x200x128xf32, #tpu.memory_space<vmem>>, vector<1x1x16xf32>,
        %get3A_481 = arith.index_cast %scan3A_427 : i32 to index
        %get3A_482 = arith.constant 80 : index
        %get3A_483 = tpu.vector_load %arg7[%get3A_481, %get3A_482] {strides = array<i32>} : memref<200x128xf32, #tpu.memory_space<vmem>>, vector<1x16xf32>,
        %get3A_484 = vector.shape_cast %get3A_483 : vector<1x16xf32> to vector<16xf32>
        %swap3A_485 = arith.constant 2 : i32
        %swap3A_486 = arith.index_cast %swap3A_485 : i32 to index
        %swap3A_487 = arith.index_cast %scan3A_427 : i32 to index
        %swap3A_488 = arith.constant 80 : index
        %swap3A_489 = tpu.vector_load %arg8[%swap3A_486, %swap3A_487, %swap3A_488] {strides = array<i32>} : memref<3x200x128xf32, #tpu.memory_space<vmem>>, vector<1x1x16xf32>,
        %swap3A_490 = vector.shape_cast %swap3A_489 : vector<1x1x16xf32> to vector<16xf32>
        %swap3A_491 = vector.shape_cast %get3A_484 : vector<16xf32> to vector<1x1x16xf32>
        tpu.vector_store %arg8[%swap3A_486, %swap3A_487, %swap3A_488], %swap3A_491 {add = true, strides = array<i32>} : memref<3x200x128xf32, #tpu.memory_space<vmem>>, vector<1x1x16xf32>,
        %get3A_492 = arith.index_cast %scan3A_427 : i32 to index
        %get3A_493 = arith.constant 96 : index
        %get3A_494 = tpu.vector_load %arg7[%get3A_492, %get3A_493] {strides = array<i32>} : memref<200x128xf32, #tpu.memory_space<vmem>>, vector<1x16xf32>,
        %get3A_495 = vector.shape_cast %get3A_494 : vector<1x16xf32> to vector<16xf32>
        %swap3A_496 = arith.constant 2 : i32
        %swap3A_497 = arith.index_cast %swap3A_496 : i32 to index
        %swap3A_498 = arith.index_cast %scan3A_427 : i32 to index
        %swap3A_499 = arith.constant 96 : index
        %swap3A_500 = tpu.vector_load %arg8[%swap3A_497, %swap3A_498, %swap3A_499] {strides = array<i32>} : memref<3x200x128xf32, #tpu.memory_space<vmem>>, vector<1x1x16xf32>,
        %swap3A_501 = vector.shape_cast %swap3A_500 : vector<1x1x16xf32> to vector<16xf32>
        %swap3A_502 = vector.shape_cast %get3A_495 : vector<16xf32> to vector<1x1x16xf32>
        tpu.vector_store %arg8[%swap3A_497, %swap3A_498, %swap3A_499], %swap3A_502 {add = true, strides = array<i32>} : memref<3x200x128xf32, #tpu.memory_space<vmem>>, vector<1x1x16xf32>,
        %get3A_503 = arith.index_cast %scan3A_427 : i32 to index
        %get3A_504 = arith.constant 112 : index
        %get3A_505 = tpu.vector_load %arg7[%get3A_503, %get3A_504] {strides = array<i32>} : memref<200x128xf32, #tpu.memory_space<vmem>>, vector<1x16xf32>,
        %get3A_506 = vector.shape_cast %get3A_505 : vector<1x16xf32> to vector<16xf32>
        %swap3A_507 = arith.constant 2 : i32
        %swap3A_508 = arith.index_cast %swap3A_507 : i32 to index
        %swap3A_509 = arith.index_cast %scan3A_427 : i32 to index
        %swap3A_510 = arith.constant 112 : index
        %swap3A_511 = tpu.vector_load %arg8[%swap3A_508, %swap3A_509, %swap3A_510] {strides = array<i32>} : memref<3x200x128xf32, #tpu.memory_space<vmem>>, vector<1x1x16xf32>,
        %swap3A_512 = vector.shape_cast %swap3A_511 : vector<1x1x16xf32> to vector<16xf32>
        %swap3A_513 = vector.shape_cast %get3A_506 : vector<16xf32> to vector<1x1x16xf32>
        tpu.vector_store %arg8[%swap3A_508, %swap3A_509, %swap3A_510], %swap3A_513 {add = true, strides = array<i32>} : memref<3x200x128xf32, #tpu.memory_space<vmem>>, vector<1x1x16xf32>,
        %scan3A_514 = arith.constant 1 : i32
        %scan3A_515 = arith.addi %scan3A_427, %scan3A_514 : i32
        %get3A_516 = arith.index_cast %scan3A_515 : i32 to index
        %get3A_517 = arith.constant 0 : index
        %get3A_518 = tpu.vector_load %arg7[%get3A_516, %get3A_517] {strides = array<i32>} : memref<200x128xf32, #tpu.memory_space<vmem>>, vector<1x16xf32>,
        %get3A_519 = vector.shape_cast %get3A_518 : vector<1x16xf32> to vector<16xf32>
        %swap3A_520 = arith.constant 2 : i32
        %swap3A_521 = arith.index_cast %swap3A_520 : i32 to index
        %swap3A_522 = arith.index_cast %scan3A_515 : i32 to index
        %swap3A_523 = arith.constant 0 : index
        %swap3A_524 = tpu.vector_load %arg8[%swap3A_521, %swap3A_522, %swap3A_523] {strides = array<i32>} : memref<3x200x128xf32, #tpu.memory_space<vmem>>, vector<1x1x16xf32>,
        %swap3A_525 = vector.shape_cast %swap3A_524 : vector<1x1x16xf32> to vector<16xf32>
        %swap3A_526 = vector.shape_cast %get3A_519 : vector<16xf32> to vector<1x1x16xf32>
        tpu.vector_store %arg8[%swap3A_521, %swap3A_522, %swap3A_523], %swap3A_526 {add = true, strides = array<i32>} : memref<3x200x128xf32, #tpu.memory_space<vmem>>, vector<1x1x16xf32>,
        %get3A_527 = arith.index_cast %scan3A_515 : i32 to index
        %get3A_528 = arith.constant 16 : index
        %get3A_529 = tpu.vector_load %arg7[%get3A_527, %get3A_528] {strides = array<i32>} : memref<200x128xf32, #tpu.memory_space<vmem>>, vector<1x16xf32>,
        %get3A_530 = vector.shape_cast %get3A_529 : vector<1x16xf32> to vector<16xf32>
        %swap3A_531 = arith.constant 2 : i32
        %swap3A_532 = arith.index_cast %swap3A_531 : i32 to index
        %swap3A_533 = arith.index_cast %scan3A_515 : i32 to index
        %swap3A_534 = arith.constant 16 : index
        %swap3A_535 = tpu.vector_load %arg8[%swap3A_532, %swap3A_533, %swap3A_534] {strides = array<i32>} : memref<3x200x128xf32, #tpu.memory_space<vmem>>, vector<1x1x16xf32>,
        %swap3A_536 = vector.shape_cast %swap3A_535 : vector<1x1x16xf32> to vector<16xf32>
        %swap3A_537 = vector.shape_cast %get3A_530 : vector<16xf32> to vector<1x1x16xf32>
        tpu.vector_store %arg8[%swap3A_532, %swap3A_533, %swap3A_534], %swap3A_537 {add = true, strides = array<i32>} : memref<3x200x128xf32, #tpu.memory_space<vmem>>, vector<1x1x16xf32>,
        %get3A_538 = arith.index_cast %scan3A_515 : i32 to index
        %get3A_539 = arith.constant 32 : index
        %get3A_540 = tpu.vector_load %arg7[%get3A_538, %get3A_539] {strides = array<i32>} : memref<200x128xf32, #tpu.memory_space<vmem>>, vector<1x16xf32>,
        %get3A_541 = vector.shape_cast %get3A_540 : vector<1x16xf32> to vector<16xf32>
        %swap3A_542 = arith.constant 2 : i32
        %swap3A_543 = arith.index_cast %swap3A_542 : i32 to index
        %swap3A_544 = arith.index_cast %scan3A_515 : i32 to index
        %swap3A_545 = arith.constant 32 : index
        %swap3A_546 = tpu.vector_load %arg8[%swap3A_543, %swap3A_544, %swap3A_545] {strides = array<i32>} : memref<3x200x128xf32, #tpu.memory_space<vmem>>, vector<1x1x16xf32>,
        %swap3A_547 = vector.shape_cast %swap3A_546 : vector<1x1x16xf32> to vector<16xf32>
        %swap3A_548 = vector.shape_cast %get3A_541 : vector<16xf32> to vector<1x1x16xf32>
        tpu.vector_store %arg8[%swap3A_543, %swap3A_544, %swap3A_545], %swap3A_548 {add = true, strides = array<i32>} : memref<3x200x128xf32, #tpu.memory_space<vmem>>, vector<1x1x16xf32>,
        %get3A_549 = arith.index_cast %scan3A_515 : i32 to index
        %get3A_550 = arith.constant 48 : index
        %get3A_551 = tpu.vector_load %arg7[%get3A_549, %get3A_550] {strides = array<i32>} : memref<200x128xf32, #tpu.memory_space<vmem>>, vector<1x16xf32>,
        %get3A_552 = vector.shape_cast %get3A_551 : vector<1x16xf32> to vector<16xf32>
        %swap3A_553 = arith.constant 2 : i32
        %swap3A_554 = arith.index_cast %swap3A_553 : i32 to index
        %swap3A_555 = arith.index_cast %scan3A_515 : i32 to index
        %swap3A_556 = arith.constant 48 : index
        %swap3A_557 = tpu.vector_load %arg8[%swap3A_554, %swap3A_555, %swap3A_556] {strides = array<i32>} : memref<3x200x128xf32, #tpu.memory_space<vmem>>, vector<1x1x16xf32>,
        %swap3A_558 = vector.shape_cast %swap3A_557 : vector<1x1x16xf32> to vector<16xf32>
        %swap3A_559 = vector.shape_cast %get3A_552 : vector<16xf32> to vector<1x1x16xf32>
        tpu.vector_store %arg8[%swap3A_554, %swap3A_555, %swap3A_556], %swap3A_559 {add = true, strides = array<i32>} : memref<3x200x128xf32, #tpu.memory_space<vmem>>, vector<1x1x16xf32>,
        %get3A_560 = arith.index_cast %scan3A_515 : i32 to index
        %get3A_561 = arith.constant 64 : index
        %get3A_562 = tpu.vector_load %arg7[%get3A_560, %get3A_561] {strides = array<i32>} : memref<200x128xf32, #tpu.memory_space<vmem>>, vector<1x16xf32>,
        %get3A_563 = vector.shape_cast %get3A_562 : vector<1x16xf32> to vector<16xf32>
        %swap3A_564 = arith.constant 2 : i32
        %swap3A_565 = arith.index_cast %swap3A_564 : i32 to index
        %swap3A_566 = arith.index_cast %scan3A_515 : i32 to index
        %swap3A_567 = arith.constant 64 : index
        %swap3A_568 = tpu.vector_load %arg8[%swap3A_565, %swap3A_566, %swap3A_567] {strides = array<i32>} : memref<3x200x128xf32, #tpu.memory_space<vmem>>, vector<1x1x16xf32>,
        %swap3A_569 = vector.shape_cast %swap3A_568 : vector<1x1x16xf32> to vector<16xf32>
        %swap3A_570 = vector.shape_cast %get3A_563 : vector<16xf32> to vector<1x1x16xf32>
        tpu.vector_store %arg8[%swap3A_565, %swap3A_566, %swap3A_567], %swap3A_570 {add = true, strides = array<i32>} : memref<3x200x128xf32, #tpu.memory_space<vmem>>, vector<1x1x16xf32>,
        %get3A_571 = arith.index_cast %scan3A_515 : i32 to index
        %get3A_572 = arith.constant 80 : index
        %get3A_573 = tpu.vector_load %arg7[%get3A_571, %get3A_572] {strides = array<i32>} : memref<200x128xf32, #tpu.memory_space<vmem>>, vector<1x16xf32>,
        %get3A_574 = vector.shape_cast %get3A_573 : vector<1x16xf32> to vector<16xf32>
        %swap3A_575 = arith.constant 2 : i32
        %swap3A_576 = arith.index_cast %swap3A_575 : i32 to index
        %swap3A_577 = arith.index_cast %scan3A_515 : i32 to index
        %swap3A_578 = arith.constant 80 : index
        %swap3A_579 = tpu.vector_load %arg8[%swap3A_576, %swap3A_577, %swap3A_578] {strides = array<i32>} : memref<3x200x128xf32, #tpu.memory_space<vmem>>, vector<1x1x16xf32>,
        %swap3A_580 = vector.shape_cast %swap3A_579 : vector<1x1x16xf32> to vector<16xf32>
        %swap3A_581 = vector.shape_cast %get3A_574 : vector<16xf32> to vector<1x1x16xf32>
        tpu.vector_store %arg8[%swap3A_576, %swap3A_577, %swap3A_578], %swap3A_581 {add = true, strides = array<i32>} : memref<3x200x128xf32, #tpu.memory_space<vmem>>, vector<1x1x16xf32>,
        %get3A_582 = arith.index_cast %scan3A_515 : i32 to index
        %get3A_583 = arith.constant 96 : index
        %get3A_584 = tpu.vector_load %arg7[%get3A_582, %get3A_583] {strides = array<i32>} : memref<200x128xf32, #tpu.memory_space<vmem>>, vector<1x16xf32>,
        %get3A_585 = vector.shape_cast %get3A_584 : vector<1x16xf32> to vector<16xf32>
        %swap3A_586 = arith.constant 2 : i32
        %swap3A_587 = arith.index_cast %swap3A_586 : i32 to index
        %swap3A_588 = arith.index_cast %scan3A_515 : i32 to index
        %swap3A_589 = arith.constant 96 : index
        %swap3A_590 = tpu.vector_load %arg8[%swap3A_587, %swap3A_588, %swap3A_589] {strides = array<i32>} : memref<3x200x128xf32, #tpu.memory_space<vmem>>, vector<1x1x16xf32>,
        %swap3A_591 = vector.shape_cast %swap3A_590 : vector<1x1x16xf32> to vector<16xf32>
        %swap3A_592 = vector.shape_cast %get3A_585 : vector<16xf32> to vector<1x1x16xf32>
        tpu.vector_store %arg8[%swap3A_587, %swap3A_588, %swap3A_589], %swap3A_592 {add = true, strides = array<i32>} : memref<3x200x128xf32, #tpu.memory_space<vmem>>, vector<1x1x16xf32>,
        %get3A_593 = arith.index_cast %scan3A_515 : i32 to index
        %get3A_594 = arith.constant 112 : index
        %get3A_595 = tpu.vector_load %arg7[%get3A_593, %get3A_594] {strides = array<i32>} : memref<200x128xf32, #tpu.memory_space<vmem>>, vector<1x16xf32>,
        %get3A_596 = vector.shape_cast %get3A_595 : vector<1x16xf32> to vector<16xf32>
        %swap3A_597 = arith.constant 2 : i32
        %swap3A_598 = arith.index_cast %swap3A_597 : i32 to index
        %swap3A_599 = arith.index_cast %scan3A_515 : i32 to index
        %swap3A_600 = arith.constant 112 : index
        %swap3A_601 = tpu.vector_load %arg8[%swap3A_598, %swap3A_599, %swap3A_600] {strides = array<i32>} : memref<3x200x128xf32, #tpu.memory_space<vmem>>, vector<1x1x16xf32>,
        %swap3A_602 = vector.shape_cast %swap3A_601 : vector<1x1x16xf32> to vector<16xf32>
        %swap3A_603 = vector.shape_cast %get3A_596 : vector<16xf32> to vector<1x1x16xf32>
        tpu.vector_store %arg8[%swap3A_598, %swap3A_599, %swap3A_600], %swap3A_603 {add = true, strides = array<i32>} : memref<3x200x128xf32, #tpu.memory_space<vmem>>, vector<1x1x16xf32>,
      }
      %scan3A_389 = arith.constant 200 : i32
      %add3A_390 = arith.addi %mul3A_2, %add3A_357 : i32
      %dma_start3A_391 = arith.constant 2 : i32
      %dma_start3A_392 = arith.constant 0 : i32
      %dma_start3A_393 = arith.constant 0 : i32
      %dma_start3A_394 = tpu.memref_slice %arg8[%dma_start3A_391, %dma_start3A_392, %dma_start3A_393] : memref<3x200x128xf32, #tpu.memory_space<vmem>> -> memref<1x200x128xf32, #tpu.memory_space<vmem>>
      %dma_start3A_395 = tpu.memref_squeeze %dma_start3A_394 : memref<1x200x128xf32, #tpu.memory_space<vmem>> -> memref<200x128xf32, #tpu.memory_space<vmem>>
      %dma_start3A_396 = arith.constant 0 : i32
      %dma_start3A_397 = arith.constant 0 : i32
      %dma_start3A_398 = tpu.memref_slice %arg5[%add3A_390, %dma_start3A_396, %dma_start3A_397] : memref<4096x200x128xf32, #tpu.memory_space<hbm>> -> memref<1x200x128xf32, #tpu.memory_space<hbm>>
      %dma_start3A_399 = tpu.memref_squeeze %dma_start3A_398 : memref<1x200x128xf32, #tpu.memory_space<hbm>> -> memref<200x128xf32, #tpu.memory_space<hbm>>
      %dma_start3A_400 = arith.constant 0 : i32
      %dma_start3A_401 = arith.constant 0 : i32
      %dma_start3A_402 = tpu.memref_slice %arg5[%add3A_390, %dma_start3A_400, %dma_start3A_401] : memref<4096x200x128xf32, #tpu.memory_space<hbm>> -> memref<1x200x128xf32, #tpu.memory_space<hbm>>
      %dma_start3A_403 = tpu.memref_squeeze %dma_start3A_402 : memref<1x200x128xf32, #tpu.memory_space<hbm>> -> memref<200x128xf32, #tpu.memory_space<hbm>>
      %dma_start3A_404 = arith.constant 0 : i32
      %dma_start3A_405 = arith.constant 0 : i32
      %dma_start3A_406 = tpu.memref_slice %arg8[%dma_start3A_391, %dma_start3A_404, %dma_start3A_405] : memref<3x200x128xf32, #tpu.memory_space<vmem>> -> memref<1x200x128xf32, #tpu.memory_space<vmem>>
      %dma_start3A_407 = tpu.memref_squeeze %dma_start3A_406 : memref<1x200x128xf32, #tpu.memory_space<vmem>> -> memref<200x128xf32, #tpu.memory_space<vmem>>
      tpu.enqueue_dma source(%dma_start3A_407 : memref<200x128xf32, #tpu.memory_space<vmem>>) target(%dma_start3A_403 : memref<200x128xf32, #tpu.memory_space<hbm>>) target_semaphore(%arg12 : memref<!tpu.dma_semaphore, #tpu.memory_space<semaphore_mem>>)
      %ge3A_408 = arith.constant 1 : i32
      %ge3A_409 = arith.cmpi sge, %add3A_357, %ge3A_408 : i32
      %convert_element_type3A_410 = arith.extui %ge3A_409 : i1 to i32
      %cond3A_411 = arith.constant 0 : i32
      %cond3A_412 = arith.cmpi ne, %convert_element_type3A_410, %cond3A_411 : i32
      scf.if %cond3A_412 {
        %dma_wait3A_427 = arith.constant 1 : i32
        %dma_wait3A_428 = arith.constant 0 : i32
        %dma_wait3A_429 = arith.constant 0 : i32
        %dma_wait3A_430 = tpu.memref_slice %arg8[%dma_wait3A_427, %dma_wait3A_428, %dma_wait3A_429] : memref<3x200x128xf32, #tpu.memory_space<vmem>> -> memref<1x200x128xf32, #tpu.memory_space<vmem>>
        %dma_wait3A_431 = tpu.memref_squeeze %dma_wait3A_430 : memref<1x200x128xf32, #tpu.memory_space<vmem>> -> memref<200x128xf32, #tpu.memory_space<vmem>>
        %dma_wait3A_432 = arith.constant 0 : i32
        %dma_wait3A_433 = arith.constant 0 : i32
        %dma_wait3A_434 = tpu.memref_slice %arg5[%mul3A_2, %dma_wait3A_432, %dma_wait3A_433] : memref<4096x200x128xf32, #tpu.memory_space<hbm>> -> memref<1x200x128xf32, #tpu.memory_space<hbm>>
        %dma_wait3A_435 = tpu.memref_squeeze %dma_wait3A_434 : memref<1x200x128xf32, #tpu.memory_space<hbm>> -> memref<200x128xf32, #tpu.memory_space<hbm>>
        %dma_wait3A_436 = arith.constant 0 : i32
        %dma_wait3A_437 = arith.constant 0 : i32
        %dma_wait3A_438 = tpu.memref_slice %arg5[%mul3A_2, %dma_wait3A_436, %dma_wait3A_437] : memref<4096x200x128xf32, #tpu.memory_space<hbm>> -> memref<1x200x128xf32, #tpu.memory_space<hbm>>
        %dma_wait3A_439 = tpu.memref_squeeze %dma_wait3A_438 : memref<1x200x128xf32, #tpu.memory_space<hbm>> -> memref<200x128xf32, #tpu.memory_space<hbm>>
        %dma_wait3A_440 = arith.constant 0 : i32
        %dma_wait3A_441 = arith.constant 0 : i32
        %dma_wait3A_442 = tpu.memref_slice %arg8[%dma_wait3A_427, %dma_wait3A_440, %dma_wait3A_441] : memref<3x200x128xf32, #tpu.memory_space<vmem>> -> memref<1x200x128xf32, #tpu.memory_space<vmem>>
        %dma_wait3A_443 = tpu.memref_squeeze %dma_wait3A_442 : memref<1x200x128xf32, #tpu.memory_space<vmem>> -> memref<200x128xf32, #tpu.memory_space<vmem>>
        tpu.wait_dma2 semaphore(%arg11 : memref<!tpu.dma_semaphore, #tpu.memory_space<semaphore_mem>>) src(%dma_wait3A_443 : memref<200x128xf32, #tpu.memory_space<vmem>>) dst(%dma_wait3A_439 : memref<200x128xf32, #tpu.memory_space<hbm>>)
      } else {
      }
      %add3A_413 = arith.constant 2 : i32
      %add3A_414 = arith.addi %add3A_357, %add3A_413 : i32
      %eq3A_415 = arith.constant 64 : i32
      %eq3A_416 = arith.cmpi eq, %add3A_414, %eq3A_415 : i32
      %convert_element_type3A_417 = arith.extui %eq3A_416 : i1 to i32
      %cond3A_418 = arith.constant 0 : i32
      %cond3A_419 = arith.cmpi ne, %convert_element_type3A_417, %cond3A_418 : i32
      scf.if %cond3A_419 {
        %add3A_427 = arith.constant 64 : i32
        %add3A_428 = arith.addi %mul3A_2, %add3A_427 : i32
        "tpu.region"() ({
          %run_scoped3A = tpu.sem_alloc : memref<!tpu.dma_semaphore, #tpu.memory_space<semaphore_mem>>
          %dma_start3A_429 = arith.constant 0 : i32
          %dma_start3A_430 = tpu.memref_slice %arg2[%add3A_428, %dma_start3A_429] : memref<4096x200xi32, #tpu.memory_space<hbm>> -> memref<64x200xi32, #tpu.memory_space<hbm>>
          %dma_start3A_431 = arith.constant 0 : i32
          %dma_start3A_432 = tpu.memref_slice %arg2[%add3A_428, %dma_start3A_431] : memref<4096x200xi32, #tpu.memory_space<hbm>> -> memref<64x200xi32, #tpu.memory_space<hbm>>
          tpu.enqueue_dma source(%dma_start3A_432 : memref<64x200xi32, #tpu.memory_space<hbm>>) target(%arg6 : memref<64x200xi32, #tpu.memory_space<vmem>>) target_semaphore(%run_scoped3A : memref<!tpu.dma_semaphore, #tpu.memory_space<semaphore_mem>>)
          %dma_wait3A_433 = arith.constant 0 : i32
          %dma_wait3A_434 = tpu.memref_slice %arg2[%add3A_428, %dma_wait3A_433] : memref<4096x200xi32, #tpu.memory_space<hbm>> -> memref<64x200xi32, #tpu.memory_space<hbm>>
          %dma_wait3A_435 = arith.constant 0 : i32
          %dma_wait3A_436 = tpu.memref_slice %arg2[%add3A_428, %dma_wait3A_435] : memref<4096x200xi32, #tpu.memory_space<hbm>> -> memref<64x200xi32, #tpu.memory_space<hbm>>
          tpu.wait_dma2 semaphore(%run_scoped3A : memref<!tpu.dma_semaphore, #tpu.memory_space<semaphore_mem>>) src(%dma_wait3A_436 : memref<64x200xi32, #tpu.memory_space<hbm>>) dst(%arg6 : memref<64x200xi32, #tpu.memory_space<vmem>>)
          tpu.yield
        }) : () -> ()
      } else {
      }
      %add3A_420 = arith.constant 2 : i32
      %add3A_421 = arith.addi %add3A_357, %add3A_420 : i32
      %lt3A_422 = arith.constant 128 : i32
      %lt3A_423 = arith.cmpi slt, %add3A_421, %lt3A_422 : i32
      %convert_element_type3A_424 = arith.extui %lt3A_423 : i1 to i32
      %cond3A_425 = arith.constant 0 : i32
      %cond3A_426 = arith.cmpi ne, %convert_element_type3A_424, %cond3A_425 : i32
      scf.if %cond3A_426 {
        %add3A_427 = arith.constant 2 : i32
        %add3A_428 = arith.addi %add3A_357, %add3A_427 : i32
        %rem3A_429 = arith.constant 64 : i32
        %rem3A_430 = arith.remsi %add3A_428, %rem3A_429 : i32
        %dma_start3A_431 = arith.constant 1 : i32
        %dma_start3A_432 = arith.constant 0 : i32
        %dma_start3A_433 = arith.constant 0 : i32
        %dma_start3A_434 = tpu.memref_slice %arg8[%dma_start3A_431, %dma_start3A_432, %dma_start3A_433] : memref<3x200x128xf32, #tpu.memory_space<vmem>> -> memref<1x128x128xf32, #tpu.memory_space<vmem>>
        %dma_start3A_435 = tpu.memref_squeeze %dma_start3A_434 : memref<1x128x128xf32, #tpu.memory_space<vmem>> -> memref<128x128xf32, #tpu.memory_space<vmem>>
        %dma_start3A_436 = arith.constant 0 : i32
        %dma_start3A_437 = tpu.memref_slice %arg6[%rem3A_430, %dma_start3A_436] : memref<64x200xi32, #tpu.memory_space<vmem>> -> memref<1x128xi32, #tpu.memory_space<vmem>>
        %dma_start3A_438 = tpu.memref_squeeze %dma_start3A_437 : memref<1x128xi32, #tpu.memory_space<vmem>> -> memref<128xi32, #tpu.memory_space<vmem>>
        %dma_start3A_439 = arith.constant 0 : i32
        %dma_start3A_440 = arith.constant 0 : i32
        %dma_start3A_441 = tpu.memref_slice %arg3[%dma_start3A_439, %dma_start3A_440] : memref<100000x128xf32, #tpu.memory_space<hbm>> -> memref<100000x128xf32, #tpu.memory_space<hbm>>
        tpu.enqueue_indirect_dma source(%dma_start3A_441 : memref<100000x128xf32, #tpu.memory_space<hbm>>) target(%dma_start3A_435 : memref<128x128xf32, #tpu.memory_space<vmem>>) offsets(%dma_start3A_438 : memref<128xi32, #tpu.memory_space<vmem>>) semaphore(%arg9 : memref<!tpu.dma_semaphore, #tpu.memory_space<semaphore_mem>>)
        %rem3A_442 = arith.constant 64 : i32
        %rem3A_443 = arith.remsi %add3A_428, %rem3A_442 : i32
        %dma_start3A_444 = arith.constant 1 : i32
        %dma_start3A_445 = arith.constant 128 : i32
        %dma_start3A_446 = arith.constant 0 : i32
        %dma_start3A_447 = tpu.memref_slice %arg8[%dma_start3A_444, %dma_start3A_445, %dma_start3A_446] : memref<3x200x128xf32, #tpu.memory_space<vmem>> -> memref<1x72x128xf32, #tpu.memory_space<vmem>>
        %dma_start3A_448 = tpu.memref_squeeze %dma_start3A_447 : memref<1x72x128xf32, #tpu.memory_space<vmem>> -> memref<72x128xf32, #tpu.memory_space<vmem>>
        %dma_start3A_449 = arith.constant 128 : i32
        %dma_start3A_450 = tpu.memref_slice %arg6[%rem3A_443, %dma_start3A_449] : memref<64x200xi32, #tpu.memory_space<vmem>> -> memref<1x72xi32, #tpu.memory_space<vmem>>
        %dma_start3A_451 = tpu.memref_squeeze %dma_start3A_450 : memref<1x72xi32, #tpu.memory_space<vmem>> -> memref<72xi32, #tpu.memory_space<vmem>>
        %dma_start3A_452 = arith.constant 0 : i32
        %dma_start3A_453 = arith.constant 0 : i32
        %dma_start3A_454 = tpu.memref_slice %arg3[%dma_start3A_452, %dma_start3A_453] : memref<100000x128xf32, #tpu.memory_space<hbm>> -> memref<100000x128xf32, #tpu.memory_space<hbm>>
        tpu.enqueue_indirect_dma source(%dma_start3A_454 : memref<100000x128xf32, #tpu.memory_space<hbm>>) target(%dma_start3A_448 : memref<72x128xf32, #tpu.memory_space<vmem>>) offsets(%dma_start3A_451 : memref<72xi32, #tpu.memory_space<vmem>>) semaphore(%arg9 : memref<!tpu.dma_semaphore, #tpu.memory_space<semaphore_mem>>)
      } else {
      }
    }
    %scan3A_61 = arith.constant 42 : i32
    %rem3A_62 = arith.constant 126 : i32
    %rem3A_63 = arith.constant 64 : i32
    %rem3A_64 = arith.remsi %rem3A_62, %rem3A_63 : i32
    %dma_wait3A = arith.constant 0 : i32
    %dma_wait3A_65 = arith.constant 0 : i32
    %dma_wait3A_66 = arith.constant 0 : i32
    %dma_wait3A_67 = tpu.memref_slice %arg8[%dma_wait3A, %dma_wait3A_65, %dma_wait3A_66] : memref<3x200x128xf32, #tpu.memory_space<vmem>> -> memref<1x128x128xf32, #tpu.memory_space<vmem>>
    %dma_wait3A_68 = tpu.memref_squeeze %dma_wait3A_67 : memref<1x128x128xf32, #tpu.memory_space<vmem>> -> memref<128x128xf32, #tpu.memory_space<vmem>>
    %dma_wait3A_69 = arith.constant 0 : i32
    %dma_wait3A_70 = tpu.memref_slice %arg6[%rem3A_64, %dma_wait3A_69] : memref<64x200xi32, #tpu.memory_space<vmem>> -> memref<1x128xi32, #tpu.memory_space<vmem>>
    %dma_wait3A_71 = tpu.memref_squeeze %dma_wait3A_70 : memref<1x128xi32, #tpu.memory_space<vmem>> -> memref<128xi32, #tpu.memory_space<vmem>>
    %dma_wait3A_72 = arith.constant 0 : i32
    %dma_wait3A_73 = arith.constant 0 : i32
    %dma_wait3A_74 = tpu.memref_slice %arg3[%dma_wait3A_72, %dma_wait3A_73] : memref<100000x128xf32, #tpu.memory_space<hbm>> -> memref<100000x128xf32, #tpu.memory_space<hbm>>
    tpu.wait_indirect_dma semaphore(%arg9 : memref<!tpu.dma_semaphore, #tpu.memory_space<semaphore_mem>>) src(%dma_wait3A_74 : memref<100000x128xf32, #tpu.memory_space<hbm>>) dst(%dma_wait3A_68 : memref<128x128xf32, #tpu.memory_space<vmem>>)
    %rem3A_75 = arith.constant 126 : i32
    %rem3A_76 = arith.constant 64 : i32
    %rem3A_77 = arith.remsi %rem3A_75, %rem3A_76 : i32
    %dma_wait3A_78 = arith.constant 0 : i32
    %dma_wait3A_79 = arith.constant 128 : i32
    %dma_wait3A_80 = arith.constant 0 : i32
    %dma_wait3A_81 = tpu.memref_slice %arg8[%dma_wait3A_78, %dma_wait3A_79, %dma_wait3A_80] : memref<3x200x128xf32, #tpu.memory_space<vmem>> -> memref<1x72x128xf32, #tpu.memory_space<vmem>>
    %dma_wait3A_82 = tpu.memref_squeeze %dma_wait3A_81 : memref<1x72x128xf32, #tpu.memory_space<vmem>> -> memref<72x128xf32, #tpu.memory_space<vmem>>
    %dma_wait3A_83 = arith.constant 128 : i32
    %dma_wait3A_84 = tpu.memref_slice %arg6[%rem3A_77, %dma_wait3A_83] : memref<64x200xi32, #tpu.memory_space<vmem>> -> memref<1x72xi32, #tpu.memory_space<vmem>>
    %dma_wait3A_85 = tpu.memref_squeeze %dma_wait3A_84 : memref<1x72xi32, #tpu.memory_space<vmem>> -> memref<72xi32, #tpu.memory_space<vmem>>
    %dma_wait3A_86 = arith.constant 0 : i32
    %dma_wait3A_87 = arith.constant 0 : i32
    %dma_wait3A_88 = tpu.memref_slice %arg3[%dma_wait3A_86, %dma_wait3A_87] : memref<100000x128xf32, #tpu.memory_space<hbm>> -> memref<100000x128xf32, #tpu.memory_space<hbm>>
    tpu.wait_indirect_dma semaphore(%arg9 : memref<!tpu.dma_semaphore, #tpu.memory_space<semaphore_mem>>) src(%dma_wait3A_88 : memref<100000x128xf32, #tpu.memory_space<hbm>>) dst(%dma_wait3A_82 : memref<72x128xf32, #tpu.memory_space<vmem>>)
    %scan3A_89 = arith.constant 0 : i32
    %scan3A_90 = arith.constant 0 : i32
    %scan3A_91 = arith.constant 200 : i32
    %scan3A_92 = arith.addi %scan3A_90, %scan3A_91 : i32
    %scan3A_93 = arith.constant 2 : i32
    scf.for %scan3A_218 = %scan3A_90 to %scan3A_92 step %scan3A_93  : i32 {
      %get3A = arith.index_cast %scan3A_218 : i32 to index
      %get3A_219 = arith.constant 0 : index
      %get3A_220 = tpu.vector_load %arg7[%get3A, %get3A_219] {strides = array<i32>} : memref<200x128xf32, #tpu.memory_space<vmem>>, vector<1x16xf32>,
      %get3A_221 = vector.shape_cast %get3A_220 : vector<1x16xf32> to vector<16xf32>
      %swap3A = arith.constant 0 : i32
      %swap3A_222 = arith.index_cast %swap3A : i32 to index
      %swap3A_223 = arith.index_cast %scan3A_218 : i32 to index
      %swap3A_224 = arith.constant 0 : index
      %swap3A_225 = tpu.vector_load %arg8[%swap3A_222, %swap3A_223, %swap3A_224] {strides = array<i32>} : memref<3x200x128xf32, #tpu.memory_space<vmem>>, vector<1x1x16xf32>,
      %swap3A_226 = vector.shape_cast %swap3A_225 : vector<1x1x16xf32> to vector<16xf32>
      %swap3A_227 = vector.shape_cast %get3A_221 : vector<16xf32> to vector<1x1x16xf32>
      tpu.vector_store %arg8[%swap3A_222, %swap3A_223, %swap3A_224], %swap3A_227 {add = true, strides = array<i32>} : memref<3x200x128xf32, #tpu.memory_space<vmem>>, vector<1x1x16xf32>,
      %get3A_228 = arith.index_cast %scan3A_218 : i32 to index
      %get3A_229 = arith.constant 16 : index
      %get3A_230 = tpu.vector_load %arg7[%get3A_228, %get3A_229] {strides = array<i32>} : memref<200x128xf32, #tpu.memory_space<vmem>>, vector<1x16xf32>,
      %get3A_231 = vector.shape_cast %get3A_230 : vector<1x16xf32> to vector<16xf32>
      %swap3A_232 = arith.constant 0 : i32
      %swap3A_233 = arith.index_cast %swap3A_232 : i32 to index
      %swap3A_234 = arith.index_cast %scan3A_218 : i32 to index
      %swap3A_235 = arith.constant 16 : index
      %swap3A_236 = tpu.vector_load %arg8[%swap3A_233, %swap3A_234, %swap3A_235] {strides = array<i32>} : memref<3x200x128xf32, #tpu.memory_space<vmem>>, vector<1x1x16xf32>,
      %swap3A_237 = vector.shape_cast %swap3A_236 : vector<1x1x16xf32> to vector<16xf32>
      %swap3A_238 = vector.shape_cast %get3A_231 : vector<16xf32> to vector<1x1x16xf32>
      tpu.vector_store %arg8[%swap3A_233, %swap3A_234, %swap3A_235], %swap3A_238 {add = true, strides = array<i32>} : memref<3x200x128xf32, #tpu.memory_space<vmem>>, vector<1x1x16xf32>,
      %get3A_239 = arith.index_cast %scan3A_218 : i32 to index
      %get3A_240 = arith.constant 32 : index
      %get3A_241 = tpu.vector_load %arg7[%get3A_239, %get3A_240] {strides = array<i32>} : memref<200x128xf32, #tpu.memory_space<vmem>>, vector<1x16xf32>,
      %get3A_242 = vector.shape_cast %get3A_241 : vector<1x16xf32> to vector<16xf32>
      %swap3A_243 = arith.constant 0 : i32
      %swap3A_244 = arith.index_cast %swap3A_243 : i32 to index
      %swap3A_245 = arith.index_cast %scan3A_218 : i32 to index
      %swap3A_246 = arith.constant 32 : index
      %swap3A_247 = tpu.vector_load %arg8[%swap3A_244, %swap3A_245, %swap3A_246] {strides = array<i32>} : memref<3x200x128xf32, #tpu.memory_space<vmem>>, vector<1x1x16xf32>,
      %swap3A_248 = vector.shape_cast %swap3A_247 : vector<1x1x16xf32> to vector<16xf32>
      %swap3A_249 = vector.shape_cast %get3A_242 : vector<16xf32> to vector<1x1x16xf32>
      tpu.vector_store %arg8[%swap3A_244, %swap3A_245, %swap3A_246], %swap3A_249 {add = true, strides = array<i32>} : memref<3x200x128xf32, #tpu.memory_space<vmem>>, vector<1x1x16xf32>,
      %get3A_250 = arith.index_cast %scan3A_218 : i32 to index
      %get3A_251 = arith.constant 48 : index
      %get3A_252 = tpu.vector_load %arg7[%get3A_250, %get3A_251] {strides = array<i32>} : memref<200x128xf32, #tpu.memory_space<vmem>>, vector<1x16xf32>,
      %get3A_253 = vector.shape_cast %get3A_252 : vector<1x16xf32> to vector<16xf32>
      %swap3A_254 = arith.constant 0 : i32
      %swap3A_255 = arith.index_cast %swap3A_254 : i32 to index
      %swap3A_256 = arith.index_cast %scan3A_218 : i32 to index
      %swap3A_257 = arith.constant 48 : index
      %swap3A_258 = tpu.vector_load %arg8[%swap3A_255, %swap3A_256, %swap3A_257] {strides = array<i32>} : memref<3x200x128xf32, #tpu.memory_space<vmem>>, vector<1x1x16xf32>,
      %swap3A_259 = vector.shape_cast %swap3A_258 : vector<1x1x16xf32> to vector<16xf32>
      %swap3A_260 = vector.shape_cast %get3A_253 : vector<16xf32> to vector<1x1x16xf32>
      tpu.vector_store %arg8[%swap3A_255, %swap3A_256, %swap3A_257], %swap3A_260 {add = true, strides = array<i32>} : memref<3x200x128xf32, #tpu.memory_space<vmem>>, vector<1x1x16xf32>,
      %get3A_261 = arith.index_cast %scan3A_218 : i32 to index
      %get3A_262 = arith.constant 64 : index
      %get3A_263 = tpu.vector_load %arg7[%get3A_261, %get3A_262] {strides = array<i32>} : memref<200x128xf32, #tpu.memory_space<vmem>>, vector<1x16xf32>,
      %get3A_264 = vector.shape_cast %get3A_263 : vector<1x16xf32> to vector<16xf32>
      %swap3A_265 = arith.constant 0 : i32
      %swap3A_266 = arith.index_cast %swap3A_265 : i32 to index
      %swap3A_267 = arith.index_cast %scan3A_218 : i32 to index
      %swap3A_268 = arith.constant 64 : index
      %swap3A_269 = tpu.vector_load %arg8[%swap3A_266, %swap3A_267, %swap3A_268] {strides = array<i32>} : memref<3x200x128xf32, #tpu.memory_space<vmem>>, vector<1x1x16xf32>,
      %swap3A_270 = vector.shape_cast %swap3A_269 : vector<1x1x16xf32> to vector<16xf32>
      %swap3A_271 = vector.shape_cast %get3A_264 : vector<16xf32> to vector<1x1x16xf32>
      tpu.vector_store %arg8[%swap3A_266, %swap3A_267, %swap3A_268], %swap3A_271 {add = true, strides = array<i32>} : memref<3x200x128xf32, #tpu.memory_space<vmem>>, vector<1x1x16xf32>,
      %get3A_272 = arith.index_cast %scan3A_218 : i32 to index
      %get3A_273 = arith.constant 80 : index
      %get3A_274 = tpu.vector_load %arg7[%get3A_272, %get3A_273] {strides = array<i32>} : memref<200x128xf32, #tpu.memory_space<vmem>>, vector<1x16xf32>,
      %get3A_275 = vector.shape_cast %get3A_274 : vector<1x16xf32> to vector<16xf32>
      %swap3A_276 = arith.constant 0 : i32
      %swap3A_277 = arith.index_cast %swap3A_276 : i32 to index
      %swap3A_278 = arith.index_cast %scan3A_218 : i32 to index
      %swap3A_279 = arith.constant 80 : index
      %swap3A_280 = tpu.vector_load %arg8[%swap3A_277, %swap3A_278, %swap3A_279] {strides = array<i32>} : memref<3x200x128xf32, #tpu.memory_space<vmem>>, vector<1x1x16xf32>,
      %swap3A_281 = vector.shape_cast %swap3A_280 : vector<1x1x16xf32> to vector<16xf32>
      %swap3A_282 = vector.shape_cast %get3A_275 : vector<16xf32> to vector<1x1x16xf32>
      tpu.vector_store %arg8[%swap3A_277, %swap3A_278, %swap3A_279], %swap3A_282 {add = true, strides = array<i32>} : memref<3x200x128xf32, #tpu.memory_space<vmem>>, vector<1x1x16xf32>,
      %get3A_283 = arith.index_cast %scan3A_218 : i32 to index
      %get3A_284 = arith.constant 96 : index
      %get3A_285 = tpu.vector_load %arg7[%get3A_283, %get3A_284] {strides = array<i32>} : memref<200x128xf32, #tpu.memory_space<vmem>>, vector<1x16xf32>,
      %get3A_286 = vector.shape_cast %get3A_285 : vector<1x16xf32> to vector<16xf32>
      %swap3A_287 = arith.constant 0 : i32
      %swap3A_288 = arith.index_cast %swap3A_287 : i32 to index
      %swap3A_289 = arith.index_cast %scan3A_218 : i32 to index
      %swap3A_290 = arith.constant 96 : index
      %swap3A_291 = tpu.vector_load %arg8[%swap3A_288, %swap3A_289, %swap3A_290] {strides = array<i32>} : memref<3x200x128xf32, #tpu.memory_space<vmem>>, vector<1x1x16xf32>,
      %swap3A_292 = vector.shape_cast %swap3A_291 : vector<1x1x16xf32> to vector<16xf32>
      %swap3A_293 = vector.shape_cast %get3A_286 : vector<16xf32> to vector<1x1x16xf32>
      tpu.vector_store %arg8[%swap3A_288, %swap3A_289, %swap3A_290], %swap3A_293 {add = true, strides = array<i32>} : memref<3x200x128xf32, #tpu.memory_space<vmem>>, vector<1x1x16xf32>,
      %get3A_294 = arith.index_cast %scan3A_218 : i32 to index
      %get3A_295 = arith.constant 112 : index
      %get3A_296 = tpu.vector_load %arg7[%get3A_294, %get3A_295] {strides = array<i32>} : memref<200x128xf32, #tpu.memory_space<vmem>>, vector<1x16xf32>,
      %get3A_297 = vector.shape_cast %get3A_296 : vector<1x16xf32> to vector<16xf32>
      %swap3A_298 = arith.constant 0 : i32
      %swap3A_299 = arith.index_cast %swap3A_298 : i32 to index
      %swap3A_300 = arith.index_cast %scan3A_218 : i32 to index
      %swap3A_301 = arith.constant 112 : index
      %swap3A_302 = tpu.vector_load %arg8[%swap3A_299, %swap3A_300, %swap3A_301] {strides = array<i32>} : memref<3x200x128xf32, #tpu.memory_space<vmem>>, vector<1x1x16xf32>,
      %swap3A_303 = vector.shape_cast %swap3A_302 : vector<1x1x16xf32> to vector<16xf32>
      %swap3A_304 = vector.shape_cast %get3A_297 : vector<16xf32> to vector<1x1x16xf32>
      tpu.vector_store %arg8[%swap3A_299, %swap3A_300, %swap3A_301], %swap3A_304 {add = true, strides = array<i32>} : memref<3x200x128xf32, #tpu.memory_space<vmem>>, vector<1x1x16xf32>,
      %scan3A_305 = arith.constant 1 : i32
      %scan3A_306 = arith.addi %scan3A_218, %scan3A_305 : i32
      %get3A_307 = arith.index_cast %scan3A_306 : i32 to index
      %get3A_308 = arith.constant 0 : index
      %get3A_309 = tpu.vector_load %arg7[%get3A_307, %get3A_308] {strides = array<i32>} : memref<200x128xf32, #tpu.memory_space<vmem>>, vector<1x16xf32>,
      %get3A_310 = vector.shape_cast %get3A_309 : vector<1x16xf32> to vector<16xf32>
      %swap3A_311 = arith.constant 0 : i32
      %swap3A_312 = arith.index_cast %swap3A_311 : i32 to index
      %swap3A_313 = arith.index_cast %scan3A_306 : i32 to index
      %swap3A_314 = arith.constant 0 : index
      %swap3A_315 = tpu.vector_load %arg8[%swap3A_312, %swap3A_313, %swap3A_314] {strides = array<i32>} : memref<3x200x128xf32, #tpu.memory_space<vmem>>, vector<1x1x16xf32>,
      %swap3A_316 = vector.shape_cast %swap3A_315 : vector<1x1x16xf32> to vector<16xf32>
      %swap3A_317 = vector.shape_cast %get3A_310 : vector<16xf32> to vector<1x1x16xf32>
      tpu.vector_store %arg8[%swap3A_312, %swap3A_313, %swap3A_314], %swap3A_317 {add = true, strides = array<i32>} : memref<3x200x128xf32, #tpu.memory_space<vmem>>, vector<1x1x16xf32>,
      %get3A_318 = arith.index_cast %scan3A_306 : i32 to index
      %get3A_319 = arith.constant 16 : index
      %get3A_320 = tpu.vector_load %arg7[%get3A_318, %get3A_319] {strides = array<i32>} : memref<200x128xf32, #tpu.memory_space<vmem>>, vector<1x16xf32>,
      %get3A_321 = vector.shape_cast %get3A_320 : vector<1x16xf32> to vector<16xf32>
      %swap3A_322 = arith.constant 0 : i32
      %swap3A_323 = arith.index_cast %swap3A_322 : i32 to index
      %swap3A_324 = arith.index_cast %scan3A_306 : i32 to index
      %swap3A_325 = arith.constant 16 : index
      %swap3A_326 = tpu.vector_load %arg8[%swap3A_323, %swap3A_324, %swap3A_325] {strides = array<i32>} : memref<3x200x128xf32, #tpu.memory_space<vmem>>, vector<1x1x16xf32>,
      %swap3A_327 = vector.shape_cast %swap3A_326 : vector<1x1x16xf32> to vector<16xf32>
      %swap3A_328 = vector.shape_cast %get3A_321 : vector<16xf32> to vector<1x1x16xf32>
      tpu.vector_store %arg8[%swap3A_323, %swap3A_324, %swap3A_325], %swap3A_328 {add = true, strides = array<i32>} : memref<3x200x128xf32, #tpu.memory_space<vmem>>, vector<1x1x16xf32>,
      %get3A_329 = arith.index_cast %scan3A_306 : i32 to index
      %get3A_330 = arith.constant 32 : index
      %get3A_331 = tpu.vector_load %arg7[%get3A_329, %get3A_330] {strides = array<i32>} : memref<200x128xf32, #tpu.memory_space<vmem>>, vector<1x16xf32>,
      %get3A_332 = vector.shape_cast %get3A_331 : vector<1x16xf32> to vector<16xf32>
      %swap3A_333 = arith.constant 0 : i32
      %swap3A_334 = arith.index_cast %swap3A_333 : i32 to index
      %swap3A_335 = arith.index_cast %scan3A_306 : i32 to index
      %swap3A_336 = arith.constant 32 : index
      %swap3A_337 = tpu.vector_load %arg8[%swap3A_334, %swap3A_335, %swap3A_336] {strides = array<i32>} : memref<3x200x128xf32, #tpu.memory_space<vmem>>, vector<1x1x16xf32>,
      %swap3A_338 = vector.shape_cast %swap3A_337 : vector<1x1x16xf32> to vector<16xf32>
      %swap3A_339 = vector.shape_cast %get3A_332 : vector<16xf32> to vector<1x1x16xf32>
      tpu.vector_store %arg8[%swap3A_334, %swap3A_335, %swap3A_336], %swap3A_339 {add = true, strides = array<i32>} : memref<3x200x128xf32, #tpu.memory_space<vmem>>, vector<1x1x16xf32>,
      %get3A_340 = arith.index_cast %scan3A_306 : i32 to index
      %get3A_341 = arith.constant 48 : index
      %get3A_342 = tpu.vector_load %arg7[%get3A_340, %get3A_341] {strides = array<i32>} : memref<200x128xf32, #tpu.memory_space<vmem>>, vector<1x16xf32>,
      %get3A_343 = vector.shape_cast %get3A_342 : vector<1x16xf32> to vector<16xf32>
      %swap3A_344 = arith.constant 0 : i32
      %swap3A_345 = arith.index_cast %swap3A_344 : i32 to index
      %swap3A_346 = arith.index_cast %scan3A_306 : i32 to index
      %swap3A_347 = arith.constant 48 : index
      %swap3A_348 = tpu.vector_load %arg8[%swap3A_345, %swap3A_346, %swap3A_347] {strides = array<i32>} : memref<3x200x128xf32, #tpu.memory_space<vmem>>, vector<1x1x16xf32>,
      %swap3A_349 = vector.shape_cast %swap3A_348 : vector<1x1x16xf32> to vector<16xf32>
      %swap3A_350 = vector.shape_cast %get3A_343 : vector<16xf32> to vector<1x1x16xf32>
      tpu.vector_store %arg8[%swap3A_345, %swap3A_346, %swap3A_347], %swap3A_350 {add = true, strides = array<i32>} : memref<3x200x128xf32, #tpu.memory_space<vmem>>, vector<1x1x16xf32>,
      %get3A_351 = arith.index_cast %scan3A_306 : i32 to index
      %get3A_352 = arith.constant 64 : index
      %get3A_353 = tpu.vector_load %arg7[%get3A_351, %get3A_352] {strides = array<i32>} : memref<200x128xf32, #tpu.memory_space<vmem>>, vector<1x16xf32>,
      %get3A_354 = vector.shape_cast %get3A_353 : vector<1x16xf32> to vector<16xf32>
      %swap3A_355 = arith.constant 0 : i32
      %swap3A_356 = arith.index_cast %swap3A_355 : i32 to index
      %swap3A_357 = arith.index_cast %scan3A_306 : i32 to index
      %swap3A_358 = arith.constant 64 : index
      %swap3A_359 = tpu.vector_load %arg8[%swap3A_356, %swap3A_357, %swap3A_358] {strides = array<i32>} : memref<3x200x128xf32, #tpu.memory_space<vmem>>, vector<1x1x16xf32>,
      %swap3A_360 = vector.shape_cast %swap3A_359 : vector<1x1x16xf32> to vector<16xf32>
      %swap3A_361 = vector.shape_cast %get3A_354 : vector<16xf32> to vector<1x1x16xf32>
      tpu.vector_store %arg8[%swap3A_356, %swap3A_357, %swap3A_358], %swap3A_361 {add = true, strides = array<i32>} : memref<3x200x128xf32, #tpu.memory_space<vmem>>, vector<1x1x16xf32>,
      %get3A_362 = arith.index_cast %scan3A_306 : i32 to index
      %get3A_363 = arith.constant 80 : index
      %get3A_364 = tpu.vector_load %arg7[%get3A_362, %get3A_363] {strides = array<i32>} : memref<200x128xf32, #tpu.memory_space<vmem>>, vector<1x16xf32>,
      %get3A_365 = vector.shape_cast %get3A_364 : vector<1x16xf32> to vector<16xf32>
      %swap3A_366 = arith.constant 0 : i32
      %swap3A_367 = arith.index_cast %swap3A_366 : i32 to index
      %swap3A_368 = arith.index_cast %scan3A_306 : i32 to index
      %swap3A_369 = arith.constant 80 : index
      %swap3A_370 = tpu.vector_load %arg8[%swap3A_367, %swap3A_368, %swap3A_369] {strides = array<i32>} : memref<3x200x128xf32, #tpu.memory_space<vmem>>, vector<1x1x16xf32>,
      %swap3A_371 = vector.shape_cast %swap3A_370 : vector<1x1x16xf32> to vector<16xf32>
      %swap3A_372 = vector.shape_cast %get3A_365 : vector<16xf32> to vector<1x1x16xf32>
      tpu.vector_store %arg8[%swap3A_367, %swap3A_368, %swap3A_369], %swap3A_372 {add = true, strides = array<i32>} : memref<3x200x128xf32, #tpu.memory_space<vmem>>, vector<1x1x16xf32>,
      %get3A_373 = arith.index_cast %scan3A_306 : i32 to index
      %get3A_374 = arith.constant 96 : index
      %get3A_375 = tpu.vector_load %arg7[%get3A_373, %get3A_374] {strides = array<i32>} : memref<200x128xf32, #tpu.memory_space<vmem>>, vector<1x16xf32>,
      %get3A_376 = vector.shape_cast %get3A_375 : vector<1x16xf32> to vector<16xf32>
      %swap3A_377 = arith.constant 0 : i32
      %swap3A_378 = arith.index_cast %swap3A_377 : i32 to index
      %swap3A_379 = arith.index_cast %scan3A_306 : i32 to index
      %swap3A_380 = arith.constant 96 : index
      %swap3A_381 = tpu.vector_load %arg8[%swap3A_378, %swap3A_379, %swap3A_380] {strides = array<i32>} : memref<3x200x128xf32, #tpu.memory_space<vmem>>, vector<1x1x16xf32>,
      %swap3A_382 = vector.shape_cast %swap3A_381 : vector<1x1x16xf32> to vector<16xf32>
      %swap3A_383 = vector.shape_cast %get3A_376 : vector<16xf32> to vector<1x1x16xf32>
      tpu.vector_store %arg8[%swap3A_378, %swap3A_379, %swap3A_380], %swap3A_383 {add = true, strides = array<i32>} : memref<3x200x128xf32, #tpu.memory_space<vmem>>, vector<1x1x16xf32>,
      %get3A_384 = arith.index_cast %scan3A_306 : i32 to index
      %get3A_385 = arith.constant 112 : index
      %get3A_386 = tpu.vector_load %arg7[%get3A_384, %get3A_385] {strides = array<i32>} : memref<200x128xf32, #tpu.memory_space<vmem>>, vector<1x16xf32>,
      %get3A_387 = vector.shape_cast %get3A_386 : vector<1x16xf32> to vector<16xf32>
      %swap3A_388 = arith.constant 0 : i32
      %swap3A_389 = arith.index_cast %swap3A_388 : i32 to index
      %swap3A_390 = arith.index_cast %scan3A_306 : i32 to index
      %swap3A_391 = arith.constant 112 : index
      %swap3A_392 = tpu.vector_load %arg8[%swap3A_389, %swap3A_390, %swap3A_391] {strides = array<i32>} : memref<3x200x128xf32, #tpu.memory_space<vmem>>, vector<1x1x16xf32>,
      %swap3A_393 = vector.shape_cast %swap3A_392 : vector<1x1x16xf32> to vector<16xf32>
      %swap3A_394 = vector.shape_cast %get3A_387 : vector<16xf32> to vector<1x1x16xf32>
      tpu.vector_store %arg8[%swap3A_389, %swap3A_390, %swap3A_391], %swap3A_394 {add = true, strides = array<i32>} : memref<3x200x128xf32, #tpu.memory_space<vmem>>, vector<1x1x16xf32>,
    }
    %scan3A_94 = arith.constant 200 : i32
    %add3A_95 = arith.constant 126 : i32
    %add3A_96 = arith.addi %mul3A_2, %add3A_95 : i32
    %dma_start3A_97 = arith.constant 0 : i32
    %dma_start3A_98 = arith.constant 0 : i32
    %dma_start3A_99 = arith.constant 0 : i32
    %dma_start3A_100 = tpu.memref_slice %arg8[%dma_start3A_97, %dma_start3A_98, %dma_start3A_99] : memref<3x200x128xf32, #tpu.memory_space<vmem>> -> memref<1x200x128xf32, #tpu.memory_space<vmem>>
    %dma_start3A_101 = tpu.memref_squeeze %dma_start3A_100 : memref<1x200x128xf32, #tpu.memory_space<vmem>> -> memref<200x128xf32, #tpu.memory_space<vmem>>
    %dma_start3A_102 = arith.constant 0 : i32
    %dma_start3A_103 = arith.constant 0 : i32
    %dma_start3A_104 = tpu.memref_slice %arg5[%add3A_96, %dma_start3A_102, %dma_start3A_103] : memref<4096x200x128xf32, #tpu.memory_space<hbm>> -> memref<1x200x128xf32, #tpu.memory_space<hbm>>
    %dma_start3A_105 = tpu.memref_squeeze %dma_start3A_104 : memref<1x200x128xf32, #tpu.memory_space<hbm>> -> memref<200x128xf32, #tpu.memory_space<hbm>>
    %dma_start3A_106 = arith.constant 0 : i32
    %dma_start3A_107 = arith.constant 0 : i32
    %dma_start3A_108 = tpu.memref_slice %arg5[%add3A_96, %dma_start3A_106, %dma_start3A_107] : memref<4096x200x128xf32, #tpu.memory_space<hbm>> -> memref<1x200x128xf32, #tpu.memory_space<hbm>>
    %dma_start3A_109 = tpu.memref_squeeze %dma_start3A_108 : memref<1x200x128xf32, #tpu.memory_space<hbm>> -> memref<200x128xf32, #tpu.memory_space<hbm>>
    %dma_start3A_110 = arith.constant 0 : i32
    %dma_start3A_111 = arith.constant 0 : i32
    %dma_start3A_112 = tpu.memref_slice %arg8[%dma_start3A_97, %dma_start3A_110, %dma_start3A_111] : memref<3x200x128xf32, #tpu.memory_space<vmem>> -> memref<1x200x128xf32, #tpu.memory_space<vmem>>
    %dma_start3A_113 = tpu.memref_squeeze %dma_start3A_112 : memref<1x200x128xf32, #tpu.memory_space<vmem>> -> memref<200x128xf32, #tpu.memory_space<vmem>>
    tpu.enqueue_dma source(%dma_start3A_113 : memref<200x128xf32, #tpu.memory_space<vmem>>) target(%dma_start3A_109 : memref<200x128xf32, #tpu.memory_space<hbm>>) target_semaphore(%arg10 : memref<!tpu.dma_semaphore, #tpu.memory_space<semaphore_mem>>)
    %dma_wait3A_114 = arith.constant 2 : i32
    %dma_wait3A_115 = arith.constant 0 : i32
    %dma_wait3A_116 = arith.constant 0 : i32
    %dma_wait3A_117 = tpu.memref_slice %arg8[%dma_wait3A_114, %dma_wait3A_115, %dma_wait3A_116] : memref<3x200x128xf32, #tpu.memory_space<vmem>> -> memref<1x200x128xf32, #tpu.memory_space<vmem>>
    %dma_wait3A_118 = tpu.memref_squeeze %dma_wait3A_117 : memref<1x200x128xf32, #tpu.memory_space<vmem>> -> memref<200x128xf32, #tpu.memory_space<vmem>>
    %dma_wait3A_119 = arith.constant 0 : i32
    %dma_wait3A_120 = arith.constant 0 : i32
    %dma_wait3A_121 = tpu.memref_slice %arg5[%mul3A_2, %dma_wait3A_119, %dma_wait3A_120] : memref<4096x200x128xf32, #tpu.memory_space<hbm>> -> memref<1x200x128xf32, #tpu.memory_space<hbm>>
    %dma_wait3A_122 = tpu.memref_squeeze %dma_wait3A_121 : memref<1x200x128xf32, #tpu.memory_space<hbm>> -> memref<200x128xf32, #tpu.memory_space<hbm>>
    %dma_wait3A_123 = arith.constant 0 : i32
    %dma_wait3A_124 = arith.constant 0 : i32
    %dma_wait3A_125 = tpu.memref_slice %arg5[%mul3A_2, %dma_wait3A_123, %dma_wait3A_124] : memref<4096x200x128xf32, #tpu.memory_space<hbm>> -> memref<1x200x128xf32, #tpu.memory_space<hbm>>
    %dma_wait3A_126 = tpu.memref_squeeze %dma_wait3A_125 : memref<1x200x128xf32, #tpu.memory_space<hbm>> -> memref<200x128xf32, #tpu.memory_space<hbm>>
    %dma_wait3A_127 = arith.constant 0 : i32
    %dma_wait3A_128 = arith.constant 0 : i32
    %dma_wait3A_129 = tpu.memref_slice %arg8[%dma_wait3A_114, %dma_wait3A_127, %dma_wait3A_128] : memref<3x200x128xf32, #tpu.memory_space<vmem>> -> memref<1x200x128xf32, #tpu.memory_space<vmem>>
    %dma_wait3A_130 = tpu.memref_squeeze %dma_wait3A_129 : memref<1x200x128xf32, #tpu.memory_space<vmem>> -> memref<200x128xf32, #tpu.memory_space<vmem>>
    tpu.wait_dma2 semaphore(%arg12 : memref<!tpu.dma_semaphore, #tpu.memory_space<semaphore_mem>>) src(%dma_wait3A_130 : memref<200x128xf32, #tpu.memory_space<vmem>>) dst(%dma_wait3A_126 : memref<200x128xf32, #tpu.memory_space<hbm>>)
    %rem3A_131 = arith.constant 127 : i32
    %rem3A_132 = arith.constant 64 : i32
    %rem3A_133 = arith.remsi %rem3A_131, %rem3A_132 : i32
    %dma_wait3A_134 = arith.constant 1 : i32
    %dma_wait3A_135 = arith.constant 0 : i32
    %dma_wait3A_136 = arith.constant 0 : i32
    %dma_wait3A_137 = tpu.memref_slice %arg8[%dma_wait3A_134, %dma_wait3A_135, %dma_wait3A_136] : memref<3x200x128xf32, #tpu.memory_space<vmem>> -> memref<1x128x128xf32, #tpu.memory_space<vmem>>
    %dma_wait3A_138 = tpu.memref_squeeze %dma_wait3A_137 : memref<1x128x128xf32, #tpu.memory_space<vmem>> -> memref<128x128xf32, #tpu.memory_space<vmem>>
    %dma_wait3A_139 = arith.constant 0 : i32
    %dma_wait3A_140 = tpu.memref_slice %arg6[%rem3A_133, %dma_wait3A_139] : memref<64x200xi32, #tpu.memory_space<vmem>> -> memref<1x128xi32, #tpu.memory_space<vmem>>
    %dma_wait3A_141 = tpu.memref_squeeze %dma_wait3A_140 : memref<1x128xi32, #tpu.memory_space<vmem>> -> memref<128xi32, #tpu.memory_space<vmem>>
    %dma_wait3A_142 = arith.constant 0 : i32
    %dma_wait3A_143 = arith.constant 0 : i32
    %dma_wait3A_144 = tpu.memref_slice %arg3[%dma_wait3A_142, %dma_wait3A_143] : memref<100000x128xf32, #tpu.memory_space<hbm>> -> memref<100000x128xf32, #tpu.memory_space<hbm>>
    tpu.wait_indirect_dma semaphore(%arg9 : memref<!tpu.dma_semaphore, #tpu.memory_space<semaphore_mem>>) src(%dma_wait3A_144 : memref<100000x128xf32, #tpu.memory_space<hbm>>) dst(%dma_wait3A_138 : memref<128x128xf32, #tpu.memory_space<vmem>>)
    %rem3A_145 = arith.constant 127 : i32
    %rem3A_146 = arith.constant 64 : i32
    %rem3A_147 = arith.remsi %rem3A_145, %rem3A_146 : i32
    %dma_wait3A_148 = arith.constant 1 : i32
    %dma_wait3A_149 = arith.constant 128 : i32
    %dma_wait3A_150 = arith.constant 0 : i32
    %dma_wait3A_151 = tpu.memref_slice %arg8[%dma_wait3A_148, %dma_wait3A_149, %dma_wait3A_150] : memref<3x200x128xf32, #tpu.memory_space<vmem>> -> memref<1x72x128xf32, #tpu.memory_space<vmem>>
    %dma_wait3A_152 = tpu.memref_squeeze %dma_wait3A_151 : memref<1x72x128xf32, #tpu.memory_space<vmem>> -> memref<72x128xf32, #tpu.memory_space<vmem>>
    %dma_wait3A_153 = arith.constant 128 : i32
    %dma_wait3A_154 = tpu.memref_slice %arg6[%rem3A_147, %dma_wait3A_153] : memref<64x200xi32, #tpu.memory_space<vmem>> -> memref<1x72xi32, #tpu.memory_space<vmem>>
    %dma_wait3A_155 = tpu.memref_squeeze %dma_wait3A_154 : memref<1x72xi32, #tpu.memory_space<vmem>> -> memref<72xi32, #tpu.memory_space<vmem>>
    %dma_wait3A_156 = arith.constant 0 : i32
    %dma_wait3A_157 = arith.constant 0 : i32
    %dma_wait3A_158 = tpu.memref_slice %arg3[%dma_wait3A_156, %dma_wait3A_157] : memref<100000x128xf32, #tpu.memory_space<hbm>> -> memref<100000x128xf32, #tpu.memory_space<hbm>>
    tpu.wait_indirect_dma semaphore(%arg9 : memref<!tpu.dma_semaphore, #tpu.memory_space<semaphore_mem>>) src(%dma_wait3A_158 : memref<100000x128xf32, #tpu.memory_space<hbm>>) dst(%dma_wait3A_152 : memref<72x128xf32, #tpu.memory_space<vmem>>)
    %scan3A_159 = arith.constant 0 : i32
    %scan3A_160 = arith.constant 0 : i32
    %scan3A_161 = arith.constant 200 : i32
    %scan3A_162 = arith.addi %scan3A_160, %scan3A_161 : i32
    %scan3A_163 = arith.constant 2 : i32
    scf.for %scan3A_218 = %scan3A_160 to %scan3A_162 step %scan3A_163  : i32 {
      %get3A = arith.index_cast %scan3A_218 : i32 to index
      %get3A_219 = arith.constant 0 : index
      %get3A_220 = tpu.vector_load %arg7[%get3A, %get3A_219] {strides = array<i32>} : memref<200x128xf32, #tpu.memory_space<vmem>>, vector<1x16xf32>,
      %get3A_221 = vector.shape_cast %get3A_220 : vector<1x16xf32> to vector<16xf32>
      %swap3A = arith.constant 1 : i32
      %swap3A_222 = arith.index_cast %swap3A : i32 to index
      %swap3A_223 = arith.index_cast %scan3A_218 : i32 to index
      %swap3A_224 = arith.constant 0 : index
      %swap3A_225 = tpu.vector_load %arg8[%swap3A_222, %swap3A_223, %swap3A_224] {strides = array<i32>} : memref<3x200x128xf32, #tpu.memory_space<vmem>>, vector<1x1x16xf32>,
      %swap3A_226 = vector.shape_cast %swap3A_225 : vector<1x1x16xf32> to vector<16xf32>
      %swap3A_227 = vector.shape_cast %get3A_221 : vector<16xf32> to vector<1x1x16xf32>
      tpu.vector_store %arg8[%swap3A_222, %swap3A_223, %swap3A_224], %swap3A_227 {add = true, strides = array<i32>} : memref<3x200x128xf32, #tpu.memory_space<vmem>>, vector<1x1x16xf32>,
      %get3A_228 = arith.index_cast %scan3A_218 : i32 to index
      %get3A_229 = arith.constant 16 : index
      %get3A_230 = tpu.vector_load %arg7[%get3A_228, %get3A_229] {strides = array<i32>} : memref<200x128xf32, #tpu.memory_space<vmem>>, vector<1x16xf32>,
      %get3A_231 = vector.shape_cast %get3A_230 : vector<1x16xf32> to vector<16xf32>
      %swap3A_232 = arith.constant 1 : i32
      %swap3A_233 = arith.index_cast %swap3A_232 : i32 to index
      %swap3A_234 = arith.index_cast %scan3A_218 : i32 to index
      %swap3A_235 = arith.constant 16 : index
      %swap3A_236 = tpu.vector_load %arg8[%swap3A_233, %swap3A_234, %swap3A_235] {strides = array<i32>} : memref<3x200x128xf32, #tpu.memory_space<vmem>>, vector<1x1x16xf32>,
      %swap3A_237 = vector.shape_cast %swap3A_236 : vector<1x1x16xf32> to vector<16xf32>
      %swap3A_238 = vector.shape_cast %get3A_231 : vector<16xf32> to vector<1x1x16xf32>
      tpu.vector_store %arg8[%swap3A_233, %swap3A_234, %swap3A_235], %swap3A_238 {add = true, strides = array<i32>} : memref<3x200x128xf32, #tpu.memory_space<vmem>>, vector<1x1x16xf32>,
      %get3A_239 = arith.index_cast %scan3A_218 : i32 to index
      %get3A_240 = arith.constant 32 : index
      %get3A_241 = tpu.vector_load %arg7[%get3A_239, %get3A_240] {strides = array<i32>} : memref<200x128xf32, #tpu.memory_space<vmem>>, vector<1x16xf32>,
      %get3A_242 = vector.shape_cast %get3A_241 : vector<1x16xf32> to vector<16xf32>
      %swap3A_243 = arith.constant 1 : i32
      %swap3A_244 = arith.index_cast %swap3A_243 : i32 to index
      %swap3A_245 = arith.index_cast %scan3A_218 : i32 to index
      %swap3A_246 = arith.constant 32 : index
      %swap3A_247 = tpu.vector_load %arg8[%swap3A_244, %swap3A_245, %swap3A_246] {strides = array<i32>} : memref<3x200x128xf32, #tpu.memory_space<vmem>>, vector<1x1x16xf32>,
      %swap3A_248 = vector.shape_cast %swap3A_247 : vector<1x1x16xf32> to vector<16xf32>
      %swap3A_249 = vector.shape_cast %get3A_242 : vector<16xf32> to vector<1x1x16xf32>
      tpu.vector_store %arg8[%swap3A_244, %swap3A_245, %swap3A_246], %swap3A_249 {add = true, strides = array<i32>} : memref<3x200x128xf32, #tpu.memory_space<vmem>>, vector<1x1x16xf32>,
      %get3A_250 = arith.index_cast %scan3A_218 : i32 to index
      %get3A_251 = arith.constant 48 : index
      %get3A_252 = tpu.vector_load %arg7[%get3A_250, %get3A_251] {strides = array<i32>} : memref<200x128xf32, #tpu.memory_space<vmem>>, vector<1x16xf32>,
      %get3A_253 = vector.shape_cast %get3A_252 : vector<1x16xf32> to vector<16xf32>
      %swap3A_254 = arith.constant 1 : i32
      %swap3A_255 = arith.index_cast %swap3A_254 : i32 to index
      %swap3A_256 = arith.index_cast %scan3A_218 : i32 to index
      %swap3A_257 = arith.constant 48 : index
      %swap3A_258 = tpu.vector_load %arg8[%swap3A_255, %swap3A_256, %swap3A_257] {strides = array<i32>} : memref<3x200x128xf32, #tpu.memory_space<vmem>>, vector<1x1x16xf32>,
      %swap3A_259 = vector.shape_cast %swap3A_258 : vector<1x1x16xf32> to vector<16xf32>
      %swap3A_260 = vector.shape_cast %get3A_253 : vector<16xf32> to vector<1x1x16xf32>
      tpu.vector_store %arg8[%swap3A_255, %swap3A_256, %swap3A_257], %swap3A_260 {add = true, strides = array<i32>} : memref<3x200x128xf32, #tpu.memory_space<vmem>>, vector<1x1x16xf32>,
      %get3A_261 = arith.index_cast %scan3A_218 : i32 to index
      %get3A_262 = arith.constant 64 : index
      %get3A_263 = tpu.vector_load %arg7[%get3A_261, %get3A_262] {strides = array<i32>} : memref<200x128xf32, #tpu.memory_space<vmem>>, vector<1x16xf32>,
      %get3A_264 = vector.shape_cast %get3A_263 : vector<1x16xf32> to vector<16xf32>
      %swap3A_265 = arith.constant 1 : i32
      %swap3A_266 = arith.index_cast %swap3A_265 : i32 to index
      %swap3A_267 = arith.index_cast %scan3A_218 : i32 to index
      %swap3A_268 = arith.constant 64 : index
      %swap3A_269 = tpu.vector_load %arg8[%swap3A_266, %swap3A_267, %swap3A_268] {strides = array<i32>} : memref<3x200x128xf32, #tpu.memory_space<vmem>>, vector<1x1x16xf32>,
      %swap3A_270 = vector.shape_cast %swap3A_269 : vector<1x1x16xf32> to vector<16xf32>
      %swap3A_271 = vector.shape_cast %get3A_264 : vector<16xf32> to vector<1x1x16xf32>
      tpu.vector_store %arg8[%swap3A_266, %swap3A_267, %swap3A_268], %swap3A_271 {add = true, strides = array<i32>} : memref<3x200x128xf32, #tpu.memory_space<vmem>>, vector<1x1x16xf32>,
      %get3A_272 = arith.index_cast %scan3A_218 : i32 to index
      %get3A_273 = arith.constant 80 : index
      %get3A_274 = tpu.vector_load %arg7[%get3A_272, %get3A_273] {strides = array<i32>} : memref<200x128xf32, #tpu.memory_space<vmem>>, vector<1x16xf32>,
      %get3A_275 = vector.shape_cast %get3A_274 : vector<1x16xf32> to vector<16xf32>
      %swap3A_276 = arith.constant 1 : i32
      %swap3A_277 = arith.index_cast %swap3A_276 : i32 to index
      %swap3A_278 = arith.index_cast %scan3A_218 : i32 to index
      %swap3A_279 = arith.constant 80 : index
      %swap3A_280 = tpu.vector_load %arg8[%swap3A_277, %swap3A_278, %swap3A_279] {strides = array<i32>} : memref<3x200x128xf32, #tpu.memory_space<vmem>>, vector<1x1x16xf32>,
      %swap3A_281 = vector.shape_cast %swap3A_280 : vector<1x1x16xf32> to vector<16xf32>
      %swap3A_282 = vector.shape_cast %get3A_275 : vector<16xf32> to vector<1x1x16xf32>
      tpu.vector_store %arg8[%swap3A_277, %swap3A_278, %swap3A_279], %swap3A_282 {add = true, strides = array<i32>} : memref<3x200x128xf32, #tpu.memory_space<vmem>>, vector<1x1x16xf32>,
      %get3A_283 = arith.index_cast %scan3A_218 : i32 to index
      %get3A_284 = arith.constant 96 : index
      %get3A_285 = tpu.vector_load %arg7[%get3A_283, %get3A_284] {strides = array<i32>} : memref<200x128xf32, #tpu.memory_space<vmem>>, vector<1x16xf32>,
      %get3A_286 = vector.shape_cast %get3A_285 : vector<1x16xf32> to vector<16xf32>
      %swap3A_287 = arith.constant 1 : i32
      %swap3A_288 = arith.index_cast %swap3A_287 : i32 to index
      %swap3A_289 = arith.index_cast %scan3A_218 : i32 to index
      %swap3A_290 = arith.constant 96 : index
      %swap3A_291 = tpu.vector_load %arg8[%swap3A_288, %swap3A_289, %swap3A_290] {strides = array<i32>} : memref<3x200x128xf32, #tpu.memory_space<vmem>>, vector<1x1x16xf32>,
      %swap3A_292 = vector.shape_cast %swap3A_291 : vector<1x1x16xf32> to vector<16xf32>
      %swap3A_293 = vector.shape_cast %get3A_286 : vector<16xf32> to vector<1x1x16xf32>
      tpu.vector_store %arg8[%swap3A_288, %swap3A_289, %swap3A_290], %swap3A_293 {add = true, strides = array<i32>} : memref<3x200x128xf32, #tpu.memory_space<vmem>>, vector<1x1x16xf32>,
      %get3A_294 = arith.index_cast %scan3A_218 : i32 to index
      %get3A_295 = arith.constant 112 : index
      %get3A_296 = tpu.vector_load %arg7[%get3A_294, %get3A_295] {strides = array<i32>} : memref<200x128xf32, #tpu.memory_space<vmem>>, vector<1x16xf32>,
      %get3A_297 = vector.shape_cast %get3A_296 : vector<1x16xf32> to vector<16xf32>
      %swap3A_298 = arith.constant 1 : i32
      %swap3A_299 = arith.index_cast %swap3A_298 : i32 to index
      %swap3A_300 = arith.index_cast %scan3A_218 : i32 to index
      %swap3A_301 = arith.constant 112 : index
      %swap3A_302 = tpu.vector_load %arg8[%swap3A_299, %swap3A_300, %swap3A_301] {strides = array<i32>} : memref<3x200x128xf32, #tpu.memory_space<vmem>>, vector<1x1x16xf32>,
      %swap3A_303 = vector.shape_cast %swap3A_302 : vector<1x1x16xf32> to vector<16xf32>
      %swap3A_304 = vector.shape_cast %get3A_297 : vector<16xf32> to vector<1x1x16xf32>
      tpu.vector_store %arg8[%swap3A_299, %swap3A_300, %swap3A_301], %swap3A_304 {add = true, strides = array<i32>} : memref<3x200x128xf32, #tpu.memory_space<vmem>>, vector<1x1x16xf32>,
      %scan3A_305 = arith.constant 1 : i32
      %scan3A_306 = arith.addi %scan3A_218, %scan3A_305 : i32
      %get3A_307 = arith.index_cast %scan3A_306 : i32 to index
      %get3A_308 = arith.constant 0 : index
      %get3A_309 = tpu.vector_load %arg7[%get3A_307, %get3A_308] {strides = array<i32>} : memref<200x128xf32, #tpu.memory_space<vmem>>, vector<1x16xf32>,
      %get3A_310 = vector.shape_cast %get3A_309 : vector<1x16xf32> to vector<16xf32>
      %swap3A_311 = arith.constant 1 : i32
      %swap3A_312 = arith.index_cast %swap3A_311 : i32 to index
      %swap3A_313 = arith.index_cast %scan3A_306 : i32 to index
      %swap3A_314 = arith.constant 0 : index
      %swap3A_315 = tpu.vector_load %arg8[%swap3A_312, %swap3A_313, %swap3A_314] {strides = array<i32>} : memref<3x200x128xf32, #tpu.memory_space<vmem>>, vector<1x1x16xf32>,
      %swap3A_316 = vector.shape_cast %swap3A_315 : vector<1x1x16xf32> to vector<16xf32>
      %swap3A_317 = vector.shape_cast %get3A_310 : vector<16xf32> to vector<1x1x16xf32>
      tpu.vector_store %arg8[%swap3A_312, %swap3A_313, %swap3A_314], %swap3A_317 {add = true, strides = array<i32>} : memref<3x200x128xf32, #tpu.memory_space<vmem>>, vector<1x1x16xf32>,
      %get3A_318 = arith.index_cast %scan3A_306 : i32 to index
      %get3A_319 = arith.constant 16 : index
      %get3A_320 = tpu.vector_load %arg7[%get3A_318, %get3A_319] {strides = array<i32>} : memref<200x128xf32, #tpu.memory_space<vmem>>, vector<1x16xf32>,
      %get3A_321 = vector.shape_cast %get3A_320 : vector<1x16xf32> to vector<16xf32>
      %swap3A_322 = arith.constant 1 : i32
      %swap3A_323 = arith.index_cast %swap3A_322 : i32 to index
      %swap3A_324 = arith.index_cast %scan3A_306 : i32 to index
      %swap3A_325 = arith.constant 16 : index
      %swap3A_326 = tpu.vector_load %arg8[%swap3A_323, %swap3A_324, %swap3A_325] {strides = array<i32>} : memref<3x200x128xf32, #tpu.memory_space<vmem>>, vector<1x1x16xf32>,
      %swap3A_327 = vector.shape_cast %swap3A_326 : vector<1x1x16xf32> to vector<16xf32>
      %swap3A_328 = vector.shape_cast %get3A_321 : vector<16xf32> to vector<1x1x16xf32>
      tpu.vector_store %arg8[%swap3A_323, %swap3A_324, %swap3A_325], %swap3A_328 {add = true, strides = array<i32>} : memref<3x200x128xf32, #tpu.memory_space<vmem>>, vector<1x1x16xf32>,
      %get3A_329 = arith.index_cast %scan3A_306 : i32 to index
      %get3A_330 = arith.constant 32 : index
      %get3A_331 = tpu.vector_load %arg7[%get3A_329, %get3A_330] {strides = array<i32>} : memref<200x128xf32, #tpu.memory_space<vmem>>, vector<1x16xf32>,
      %get3A_332 = vector.shape_cast %get3A_331 : vector<1x16xf32> to vector<16xf32>
      %swap3A_333 = arith.constant 1 : i32
      %swap3A_334 = arith.index_cast %swap3A_333 : i32 to index
      %swap3A_335 = arith.index_cast %scan3A_306 : i32 to index
      %swap3A_336 = arith.constant 32 : index
      %swap3A_337 = tpu.vector_load %arg8[%swap3A_334, %swap3A_335, %swap3A_336] {strides = array<i32>} : memref<3x200x128xf32, #tpu.memory_space<vmem>>, vector<1x1x16xf32>,
      %swap3A_338 = vector.shape_cast %swap3A_337 : vector<1x1x16xf32> to vector<16xf32>
      %swap3A_339 = vector.shape_cast %get3A_332 : vector<16xf32> to vector<1x1x16xf32>
      tpu.vector_store %arg8[%swap3A_334, %swap3A_335, %swap3A_336], %swap3A_339 {add = true, strides = array<i32>} : memref<3x200x128xf32, #tpu.memory_space<vmem>>, vector<1x1x16xf32>,
      %get3A_340 = arith.index_cast %scan3A_306 : i32 to index
      %get3A_341 = arith.constant 48 : index
      %get3A_342 = tpu.vector_load %arg7[%get3A_340, %get3A_341] {strides = array<i32>} : memref<200x128xf32, #tpu.memory_space<vmem>>, vector<1x16xf32>,
      %get3A_343 = vector.shape_cast %get3A_342 : vector<1x16xf32> to vector<16xf32>
      %swap3A_344 = arith.constant 1 : i32
      %swap3A_345 = arith.index_cast %swap3A_344 : i32 to index
      %swap3A_346 = arith.index_cast %scan3A_306 : i32 to index
      %swap3A_347 = arith.constant 48 : index
      %swap3A_348 = tpu.vector_load %arg8[%swap3A_345, %swap3A_346, %swap3A_347] {strides = array<i32>} : memref<3x200x128xf32, #tpu.memory_space<vmem>>, vector<1x1x16xf32>,
      %swap3A_349 = vector.shape_cast %swap3A_348 : vector<1x1x16xf32> to vector<16xf32>
      %swap3A_350 = vector.shape_cast %get3A_343 : vector<16xf32> to vector<1x1x16xf32>
      tpu.vector_store %arg8[%swap3A_345, %swap3A_346, %swap3A_347], %swap3A_350 {add = true, strides = array<i32>} : memref<3x200x128xf32, #tpu.memory_space<vmem>>, vector<1x1x16xf32>,
      %get3A_351 = arith.index_cast %scan3A_306 : i32 to index
      %get3A_352 = arith.constant 64 : index
      %get3A_353 = tpu.vector_load %arg7[%get3A_351, %get3A_352] {strides = array<i32>} : memref<200x128xf32, #tpu.memory_space<vmem>>, vector<1x16xf32>,
      %get3A_354 = vector.shape_cast %get3A_353 : vector<1x16xf32> to vector<16xf32>
      %swap3A_355 = arith.constant 1 : i32
      %swap3A_356 = arith.index_cast %swap3A_355 : i32 to index
      %swap3A_357 = arith.index_cast %scan3A_306 : i32 to index
      %swap3A_358 = arith.constant 64 : index
      %swap3A_359 = tpu.vector_load %arg8[%swap3A_356, %swap3A_357, %swap3A_358] {strides = array<i32>} : memref<3x200x128xf32, #tpu.memory_space<vmem>>, vector<1x1x16xf32>,
      %swap3A_360 = vector.shape_cast %swap3A_359 : vector<1x1x16xf32> to vector<16xf32>
      %swap3A_361 = vector.shape_cast %get3A_354 : vector<16xf32> to vector<1x1x16xf32>
      tpu.vector_store %arg8[%swap3A_356, %swap3A_357, %swap3A_358], %swap3A_361 {add = true, strides = array<i32>} : memref<3x200x128xf32, #tpu.memory_space<vmem>>, vector<1x1x16xf32>,
      %get3A_362 = arith.index_cast %scan3A_306 : i32 to index
      %get3A_363 = arith.constant 80 : index
      %get3A_364 = tpu.vector_load %arg7[%get3A_362, %get3A_363] {strides = array<i32>} : memref<200x128xf32, #tpu.memory_space<vmem>>, vector<1x16xf32>,
      %get3A_365 = vector.shape_cast %get3A_364 : vector<1x16xf32> to vector<16xf32>
      %swap3A_366 = arith.constant 1 : i32
      %swap3A_367 = arith.index_cast %swap3A_366 : i32 to index
      %swap3A_368 = arith.index_cast %scan3A_306 : i32 to index
      %swap3A_369 = arith.constant 80 : index
      %swap3A_370 = tpu.vector_load %arg8[%swap3A_367, %swap3A_368, %swap3A_369] {strides = array<i32>} : memref<3x200x128xf32, #tpu.memory_space<vmem>>, vector<1x1x16xf32>,
      %swap3A_371 = vector.shape_cast %swap3A_370 : vector<1x1x16xf32> to vector<16xf32>
      %swap3A_372 = vector.shape_cast %get3A_365 : vector<16xf32> to vector<1x1x16xf32>
      tpu.vector_store %arg8[%swap3A_367, %swap3A_368, %swap3A_369], %swap3A_372 {add = true, strides = array<i32>} : memref<3x200x128xf32, #tpu.memory_space<vmem>>, vector<1x1x16xf32>,
      %get3A_373 = arith.index_cast %scan3A_306 : i32 to index
      %get3A_374 = arith.constant 96 : index
      %get3A_375 = tpu.vector_load %arg7[%get3A_373, %get3A_374] {strides = array<i32>} : memref<200x128xf32, #tpu.memory_space<vmem>>, vector<1x16xf32>,
      %get3A_376 = vector.shape_cast %get3A_375 : vector<1x16xf32> to vector<16xf32>
      %swap3A_377 = arith.constant 1 : i32
      %swap3A_378 = arith.index_cast %swap3A_377 : i32 to index
      %swap3A_379 = arith.index_cast %scan3A_306 : i32 to index
      %swap3A_380 = arith.constant 96 : index
      %swap3A_381 = tpu.vector_load %arg8[%swap3A_378, %swap3A_379, %swap3A_380] {strides = array<i32>} : memref<3x200x128xf32, #tpu.memory_space<vmem>>, vector<1x1x16xf32>,
      %swap3A_382 = vector.shape_cast %swap3A_381 : vector<1x1x16xf32> to vector<16xf32>
      %swap3A_383 = vector.shape_cast %get3A_376 : vector<16xf32> to vector<1x1x16xf32>
      tpu.vector_store %arg8[%swap3A_378, %swap3A_379, %swap3A_380], %swap3A_383 {add = true, strides = array<i32>} : memref<3x200x128xf32, #tpu.memory_space<vmem>>, vector<1x1x16xf32>,
      %get3A_384 = arith.index_cast %scan3A_306 : i32 to index
      %get3A_385 = arith.constant 112 : index
      %get3A_386 = tpu.vector_load %arg7[%get3A_384, %get3A_385] {strides = array<i32>} : memref<200x128xf32, #tpu.memory_space<vmem>>, vector<1x16xf32>,
      %get3A_387 = vector.shape_cast %get3A_386 : vector<1x16xf32> to vector<16xf32>
      %swap3A_388 = arith.constant 1 : i32
      %swap3A_389 = arith.index_cast %swap3A_388 : i32 to index
      %swap3A_390 = arith.index_cast %scan3A_306 : i32 to index
      %swap3A_391 = arith.constant 112 : index
      %swap3A_392 = tpu.vector_load %arg8[%swap3A_389, %swap3A_390, %swap3A_391] {strides = array<i32>} : memref<3x200x128xf32, #tpu.memory_space<vmem>>, vector<1x1x16xf32>,
      %swap3A_393 = vector.shape_cast %swap3A_392 : vector<1x1x16xf32> to vector<16xf32>
      %swap3A_394 = vector.shape_cast %get3A_387 : vector<16xf32> to vector<1x1x16xf32>
      tpu.vector_store %arg8[%swap3A_389, %swap3A_390, %swap3A_391], %swap3A_394 {add = true, strides = array<i32>} : memref<3x200x128xf32, #tpu.memory_space<vmem>>, vector<1x1x16xf32>,
    }
    %scan3A_164 = arith.constant 200 : i32
    %add3A_165 = arith.constant 127 : i32
    %add3A_166 = arith.addi %mul3A_2, %add3A_165 : i32
    %dma_start3A_167 = arith.constant 1 : i32
    %dma_start3A_168 = arith.constant 0 : i32
    %dma_start3A_169 = arith.constant 0 : i32
    %dma_start3A_170 = tpu.memref_slice %arg8[%dma_start3A_167, %dma_start3A_168, %dma_start3A_169] : memref<3x200x128xf32, #tpu.memory_space<vmem>> -> memref<1x200x128xf32, #tpu.memory_space<vmem>>
    %dma_start3A_171 = tpu.memref_squeeze %dma_start3A_170 : memref<1x200x128xf32, #tpu.memory_space<vmem>> -> memref<200x128xf32, #tpu.memory_space<vmem>>
    %dma_start3A_172 = arith.constant 0 : i32
    %dma_start3A_173 = arith.constant 0 : i32
    %dma_start3A_174 = tpu.memref_slice %arg5[%add3A_166, %dma_start3A_172, %dma_start3A_173] : memref<4096x200x128xf32, #tpu.memory_space<hbm>> -> memref<1x200x128xf32, #tpu.memory_space<hbm>>
    %dma_start3A_175 = tpu.memref_squeeze %dma_start3A_174 : memref<1x200x128xf32, #tpu.memory_space<hbm>> -> memref<200x128xf32, #tpu.memory_space<hbm>>
    %dma_start3A_176 = arith.constant 0 : i32
    %dma_start3A_177 = arith.constant 0 : i32
    %dma_start3A_178 = tpu.memref_slice %arg5[%add3A_166, %dma_start3A_176, %dma_start3A_177] : memref<4096x200x128xf32, #tpu.memory_space<hbm>> -> memref<1x200x128xf32, #tpu.memory_space<hbm>>
    %dma_start3A_179 = tpu.memref_squeeze %dma_start3A_178 : memref<1x200x128xf32, #tpu.memory_space<hbm>> -> memref<200x128xf32, #tpu.memory_space<hbm>>
    %dma_start3A_180 = arith.constant 0 : i32
    %dma_start3A_181 = arith.constant 0 : i32
    %dma_start3A_182 = tpu.memref_slice %arg8[%dma_start3A_167, %dma_start3A_180, %dma_start3A_181] : memref<3x200x128xf32, #tpu.memory_space<vmem>> -> memref<1x200x128xf32, #tpu.memory_space<vmem>>
    %dma_start3A_183 = tpu.memref_squeeze %dma_start3A_182 : memref<1x200x128xf32, #tpu.memory_space<vmem>> -> memref<200x128xf32, #tpu.memory_space<vmem>>
    tpu.enqueue_dma source(%dma_start3A_183 : memref<200x128xf32, #tpu.memory_space<vmem>>) target(%dma_start3A_179 : memref<200x128xf32, #tpu.memory_space<hbm>>) target_semaphore(%arg11 : memref<!tpu.dma_semaphore, #tpu.memory_space<semaphore_mem>>)
    %dma_wait3A_184 = arith.constant 0 : i32
    %dma_wait3A_185 = arith.constant 0 : i32
    %dma_wait3A_186 = arith.constant 0 : i32
    %dma_wait3A_187 = tpu.memref_slice %arg8[%dma_wait3A_184, %dma_wait3A_185, %dma_wait3A_186] : memref<3x200x128xf32, #tpu.memory_space<vmem>> -> memref<1x200x128xf32, #tpu.memory_space<vmem>>
    %dma_wait3A_188 = tpu.memref_squeeze %dma_wait3A_187 : memref<1x200x128xf32, #tpu.memory_space<vmem>> -> memref<200x128xf32, #tpu.memory_space<vmem>>
    %dma_wait3A_189 = arith.constant 0 : i32
    %dma_wait3A_190 = arith.constant 0 : i32
    %dma_wait3A_191 = tpu.memref_slice %arg5[%mul3A_2, %dma_wait3A_189, %dma_wait3A_190] : memref<4096x200x128xf32, #tpu.memory_space<hbm>> -> memref<1x200x128xf32, #tpu.memory_space<hbm>>
    %dma_wait3A_192 = tpu.memref_squeeze %dma_wait3A_191 : memref<1x200x128xf32, #tpu.memory_space<hbm>> -> memref<200x128xf32, #tpu.memory_space<hbm>>
    %dma_wait3A_193 = arith.constant 0 : i32
    %dma_wait3A_194 = arith.constant 0 : i32
    %dma_wait3A_195 = tpu.memref_slice %arg5[%mul3A_2, %dma_wait3A_193, %dma_wait3A_194] : memref<4096x200x128xf32, #tpu.memory_space<hbm>> -> memref<1x200x128xf32, #tpu.memory_space<hbm>>
    %dma_wait3A_196 = tpu.memref_squeeze %dma_wait3A_195 : memref<1x200x128xf32, #tpu.memory_space<hbm>> -> memref<200x128xf32, #tpu.memory_space<hbm>>
    %dma_wait3A_197 = arith.constant 0 : i32
    %dma_wait3A_198 = arith.constant 0 : i32
    %dma_wait3A_199 = tpu.memref_slice %arg8[%dma_wait3A_184, %dma_wait3A_197, %dma_wait3A_198] : memref<3x200x128xf32, #tpu.memory_space<vmem>> -> memref<1x200x128xf32, #tpu.memory_space<vmem>>
    %dma_wait3A_200 = tpu.memref_squeeze %dma_wait3A_199 : memref<1x200x128xf32, #tpu.memory_space<vmem>> -> memref<200x128xf32, #tpu.memory_space<vmem>>
    tpu.wait_dma2 semaphore(%arg10 : memref<!tpu.dma_semaphore, #tpu.memory_space<semaphore_mem>>) src(%dma_wait3A_200 : memref<200x128xf32, #tpu.memory_space<vmem>>) dst(%dma_wait3A_196 : memref<200x128xf32, #tpu.memory_space<hbm>>)
    %dma_wait3A_201 = arith.constant 1 : i32
    %dma_wait3A_202 = arith.constant 0 : i32
    %dma_wait3A_203 = arith.constant 0 : i32
    %dma_wait3A_204 = tpu.memref_slice %arg8[%dma_wait3A_201, %dma_wait3A_202, %dma_wait3A_203] : memref<3x200x128xf32, #tpu.memory_space<vmem>> -> memref<1x200x128xf32, #tpu.memory_space<vmem>>
    %dma_wait3A_205 = tpu.memref_squeeze %dma_wait3A_204 : memref<1x200x128xf32, #tpu.memory_space<vmem>> -> memref<200x128xf32, #tpu.memory_space<vmem>>
    %dma_wait3A_206 = arith.constant 0 : i32
    %dma_wait3A_207 = arith.constant 0 : i32
    %dma_wait3A_208 = tpu.memref_slice %arg5[%mul3A_2, %dma_wait3A_206, %dma_wait3A_207] : memref<4096x200x128xf32, #tpu.memory_space<hbm>> -> memref<1x200x128xf32, #tpu.memory_space<hbm>>
    %dma_wait3A_209 = tpu.memref_squeeze %dma_wait3A_208 : memref<1x200x128xf32, #tpu.memory_space<hbm>> -> memref<200x128xf32, #tpu.memory_space<hbm>>
    %dma_wait3A_210 = arith.constant 0 : i32
    %dma_wait3A_211 = arith.constant 0 : i32
    %dma_wait3A_212 = tpu.memref_slice %arg5[%mul3A_2, %dma_wait3A_210, %dma_wait3A_211] : memref<4096x200x128xf32, #tpu.memory_space<hbm>> -> memref<1x200x128xf32, #tpu.memory_space<hbm>>
    %dma_wait3A_213 = tpu.memref_squeeze %dma_wait3A_212 : memref<1x200x128xf32, #tpu.memory_space<hbm>> -> memref<200x128xf32, #tpu.memory_space<hbm>>
    %dma_wait3A_214 = arith.constant 0 : i32
    %dma_wait3A_215 = arith.constant 0 : i32
    %dma_wait3A_216 = tpu.memref_slice %arg8[%dma_wait3A_201, %dma_wait3A_214, %dma_wait3A_215] : memref<3x200x128xf32, #tpu.memory_space<vmem>> -> memref<1x200x128xf32, #tpu.memory_space<vmem>>
    %dma_wait3A_217 = tpu.memref_squeeze %dma_wait3A_216 : memref<1x200x128xf32, #tpu.memory_space<vmem>> -> memref<200x128xf32, #tpu.memory_space<vmem>>
    tpu.wait_dma2 semaphore(%arg11 : memref<!tpu.dma_semaphore, #tpu.memory_space<semaphore_mem>>) src(%dma_wait3A_217 : memref<200x128xf32, #tpu.memory_space<vmem>>) dst(%dma_wait3A_213 : memref<200x128xf32, #tpu.memory_space<hbm>>)
    return
  }
}

</mosaic_0001>

<sc_bundles>
// kernel: kernel.3.cloned.1.call-start
scs
__scs_entry_jumppad:
0x0: {  	(pc) =	sbr.rel $0x88, $3  }
0x1: {  	(tag) =	ssettag $0x0;
	lr =	simm.s32 $0x1  }
0x2: {  	[smem:$0x3F9E] =	sst lr;
	_ =	strace $0xD0000000  }
0x3: {  	_ = 	snop  }
0x4: {  	_ = 	snop  }
0x5: {  	_ = 	snop  }
0x6: {  	_ = 	snop  }
0x7: {  	_ = 	snop  }
__scs_overlays_trampoline_lowered:
0x8: {  	[smem:$0x3FAD] =	sst s0  }
0x9: {  	[smem:$0x3FAE] =	sst s1  }
0xa: {  	[smem:$0x3FAF] =	sst s2  }
0xb: {  	[smem:$0x3FB0] =	sst s3  }
0xc: {  	[smem:$0x3FB1] =	sst s4  }
0xd: {  	[smem:$0x3FB2] =	sst s5  }
0xe: {  	[smem:$0x3FB3] =	sst s6  }
0xf: {  	[smem:$0x3FB4] =	sst s7  }
0x10: {  	[smem:$0x3FB5] =	sst s8  }
0x11: {  	[smem:$0x3FB6] =	sst s9;
	s0 =	simm.s32 @!p0 $0x0  }
0x12: {  	s1 =	sld [smem:$0x3F9C];
	s0 =	simm.s32 @p0 $0x1  }
0x13: {  	[smem:$0x3FB7] =	sst s0;
	s0 =	simm.s32 @!p1 $0x0  }
0x14: {  	s2 =	sld [smem:$0x3F9B];
	s0 =	simm.s32 @p1 $0x1  }
0x15: {  	[smem:$0x3FB8] =	sst s0;
	s0 =	simm.s32 @!p2 $0x0  }
0x16: {  	s3 =	sld [smem:$0x3FDB];
	s0 =	simm.s32 @p2 $0x1  }
0x17: {  	s4 =	simm.s32 $0x1BF5;
	[smem:$0x3FBA] =	sst s0  }
0x18: {  	s0 =	sld [smem:$0x3F9D];
	_ =	swait.ge [sflag:s4], $0x0  }
0x19: {  	s7 =	sld [smem:$0x3F9E]  }
0x1a: {  	s8 =	sadd.s32 $0xFFFFE003, lr  }
0x1b: {  	s9 =	sadd.s32 $0xFFFFFEF7, lr;
	s5 =	simm.s32 $0xFFFFFFFF;
	p2 =	slt.u32 s8, $0xFFFFF086  }
0x1c: {  	p1 =	slt.u32 s9, $0xF7A;
	s5 =	simm.s32 @!p2 $0x0  }
0x1d: {  	s5 =	simm.s32 @p1 $0x1;
	p0 =	seq.s32 s7, s2  }
0x1e: {  	s7 =	smul.u32 @!p0 $0xF7A, s2;
	p2 =	seq.s32 @!p0 s5, $0x0  }
0x1f: {  	s9 =	smul.u32 $0xF7A, s1;
	s8 =	simm.s32 @!p0 $0x1BF5;
	p2 =	por !p2, p0  }
0x20: {  	[sflag:s8] =	ssyncset.s32 @!p0 $0xFFFFF086;
	s6 =	sadd.s32 @!p0 s3, s7;
	s7 =	simm.s32 @!p0 $0x108  }
0x21: {  	s3 =	sadd.s32 s3, s9;
	s6 =	sadd.s32 @!p0 $0x88, s6;
	s7 =	simm.s32 @p2 $0x1082  }
0x22: {  	[simem:s7], [sflag:s8] =	dma.local @!p0 [hbm:s6], $0xF7A  }
0x23: {  	s9 =	sor.u32 $0xD0000000, s2;
	s6 =	simm.s32 $0x108;
	_ =	swait.ge @!p0 [sflag:s8], $0x0  }
0x24: {  	s3 =	sadd.s32 $0x88, s3;
	s6 =	simm.s32 @!p1 $0x1082;
	[sflag:s4] =	ssyncset.s32 $0xFFFFF086  }
0x25: {  	[simem:s6], [sflag:s4] =	dma.local [hbm:s3], $0xF7A  }
0x26: {  	[smem:$0x3F9E] =	sst s1;
	(tag) =	ssettag s2;
	_ =	strace s9  }
0x27: {  	s1 =	sld [smem:$0x3FAE]  }
0x28: {  	s2 =	sld [smem:$0x3FAF]  }
0x29: {  	s4 =	sld [smem:$0x3FB1]  }
0x2a: {  	p0 =	seq.s32 s5, $0x0;
	s5 =	sld [smem:$0x3FB2]  }
0x2b: {  	s6 =	sld [smem:$0x3FB3]  }
0x2c: {  	s7 =	sld [smem:$0x3FB4]  }
0x2d: {  	s3 =	simm.s32 $0x108;
	s8 =	sld [smem:$0x3FB5]  }
0x2e: {  	s3 =	simm.s32 @!p0 $0x1082;
	s9 =	sld [smem:$0x3FB6]  }
0x2f: {  	lr =	sadd.s32 s0, s3;
	s0 =	sld [smem:$0x3FAD]  }
0x30: {  	s3 =	sld [smem:$0x3FB0]  }
0x31: {  	[smem:$0x3FB9] =	sst s10  }
0x32: {  	s10 =	sld [smem:$0x3FB7];
	_ =	sdelay $0x3  }
0x33: {  	p0 =	seq.s32 s10, $0x1;
	s10 =	sld [smem:$0x3FB9];
	_ =	sdelay $0x3  }
0x34: {  	[smem:$0x3FB9] =	sst s10  }
0x35: {  	s10 =	sld [smem:$0x3FB8];
	_ =	sdelay $0x3  }
0x36: {  	p1 =	seq.s32 s10, $0x1;
	s10 =	sld [smem:$0x3FB9];
	_ =	sdelay $0x3  }
0x37: {  	[smem:$0x3FB9] =	sst s10  }
0x38: {  	s10 =	sld [smem:$0x3FBA]  }
0x39: {  	_ = 	snop;
	(pc) =	sbr.ind lr, $3  }
0x3a: {  	_ = 	snop  }
0x3b: {  	_ = 	snop  }
0x3c: {  	p2 =	seq.s32 s10, $0x1;
	s10 =	sld [smem:$0x3FB9]  }
0x3d: {  	_ =	shalt  }
0x3e: {  	_ =	shalt  }
0x3f: {  	_ =	shalt  }
0x40: {  	_ =	shalt  }
0x41: {  	_ =	shalt  }
0x42: {  	_ =	shalt  }
0x43: {  	_ =	shalt  }
0x44: {  	_ =	shalt  }
0x45: {  	_ =	shalt  }
0x46: {  	_ =	shalt  }
0x47: {  	_ =	shalt  }
0x48: {  	_ =	shalt  }
0x49: {  	_ =	shalt  }
0x4a: {  	_ =	shalt  }
0x4b: {  	_ =	shalt  }
0x4c: {  	_ =	shalt  }
0x4d: {  	_ =	shalt  }
0x4e: {  	_ =	shalt  }
0x4f: {  	_ =	shalt  }
0x50: {  	_ =	shalt  }
0x51: {  	_ =	shalt  }
0x52: {  	_ =	shalt  }
0x53: {  	_ =	shalt  }
0x54: {  	_ =	shalt  }
0x55: {  	_ =	shalt  }
0x56: {  	_ =	shalt  }
0x57: {  	_ =	shalt  }
0x58: {  	_ =	shalt  }
0x59: {  	_ =	shalt  }
0x5a: {  	_ =	shalt  }
0x5b: {  	_ =	shalt  }
0x5c: {  	_ =	shalt  }
0x5d: {  	_ =	shalt  }
0x5e: {  	_ =	shalt  }
0x5f: {  	_ =	shalt  }
0x60: {  	_ =	shalt  }
0x61: {  	_ =	shalt  }
0x62: {  	_ =	shalt  }
0x63: {  	_ =	shalt  }
0x64: {  	_ =	shalt  }
0x65: {  	_ =	shalt  }
0x66: {  	_ =	shalt  }
0x67: {  	_ =	shalt  }
0x68: {  	_ =	shalt  }
0x69: {  	_ =	shalt  }
0x6a: {  	_ =	shalt  }
0x6b: {  	_ =	shalt  }
0x6c: {  	_ =	shalt  }
0x6d: {  	_ =	shalt  }
0x6e: {  	_ =	shalt  }
0x6f: {  	_ =	shalt  }
0x70: {  	_ =	shalt  }
0x71: {  	_ =	shalt  }
0x72: {  	_ =	shalt  }
0x73: {  	_ =	shalt  }
0x74: {  	_ =	shalt  }
0x75: {  	_ =	shalt  }
0x76: {  	_ =	shalt  }
0x77: {  	_ =	shalt  }
0x78: {  	_ =	shalt  }
0x79: {  	_ =	shalt  }
0x7a: {  	_ =	shalt  }
0x7b: {  	_ =	shalt  }
0x7c: {  	_ =	shalt  }
0x7d: {  	_ =	shalt  }
0x7e: {  	_ =	shalt  }
0x7f: {  	_ =	shalt  }
0x80: {  	_ =	shalt  }
0x81: {  	_ =	shalt  }
0x82: {  	_ =	shalt  }
0x83: {  	_ =	shalt  }
0x84: {  	_ =	shalt  }
0x85: {  	_ =	shalt  }
0x86: {  	_ =	shalt  }
0x87: {  	_ =	shalt  }
.Lfunc_end0:
.L_simem_size_0:
called_computation_lowered:
.L_overlay_start_0:
0x88: {  	s2 =	sld [smem:$0x3FD9]  }
0x89: {  	s3 =	sld [smem:$0x3FFE];
	_ =	sdelay $0x1  }
0x8a: {  	s1 =	srdreg.scid  }
0x8b: {  	s0 =	sand.u32 $0x1, s1  }
0x8c: {  	s17 =	sshll.u32 s0, $0xA;
	s2 =	sadd.s32 s3, s2  }
0x8d: {  	s2 =	sadd.s32 s2, s17  }
0x8e: {  	[smem:$0x3FC5] =	sst s2  }
0x8f: {  	_ = 	snop  }
0x90: {  	s2 =	sld [smem:$0x3FC8]  }
0x91: {  	s18 =	sld [smem:$0x3FC7]  }
0x92: {  	s4 =	sld [smem:$0x3FD0];
	(tm) =	ssettm $0x1  }
0x93: {  	s5 =	sld [smem:$0x3FFB];
	_ =	sdelay $0x3  }
0x94: {  	_ =	strace s5  }
0x95: {  	s5 =	sld [smem:$0x3FFC];
	_ =	sdelay $0x3  }
0x96: {  	_ =	strace s5  }
0x97: {  	s5 =	sld [smem:$0x3FFD];
	_ =	sdelay $0x3  }
0x98: {  	_ =	strace s5  }
0x99: {  	_ =	strace $0x8FFFFFFF  }
0x9a: {  	s19 =	sld [smem:$0x3FDB];
	_ =	sdelay $0x1  }
0x9b: {  	s6 =	simm.s32 $_scs_section_size  }
0x9c: {  	s7 =	simm.s32 $_size__tile_overlayer_lowered;
	s8 =	simm.s32 $_tile_overlayer_lowered  }
0x9d: {  	s22 =	simm.s32 $0x1BFF;
	s21 =	sshll.u32 s8, $0x1;
	s5 =	sadd.s32 s6, s19  }
0x9e: {  	s9 =	simm.s32 $0x0;
	s20 =	sshll.u32 s7, $0x1;
	s7 =	sadd.s32 s21, s5  }
0x9f: {  	[timem:s9], [sflag:s22] =	dma.local [hbm:s7], s20  }
0xa0: {  	_ =	swait.ge [sflag:s22], s20  }
0xa1: {  	s6 =	ssub.s32 $0x0, s20;
	[sflag:s22] =	ssyncset.done $0x0  }
0xa2: {  	[sflag:s22] =	ssyncadd.s32 s6;
	_ =	sdelay $0x1  }
0xa3: {  	s23 =	simm.s32 $0x1B8B  }
0xa4: {  	_ =	swait.ge [sflag:s23], $0x1  }
0xa5: {  	[sflag:s23] =	ssyncset.done $0x0  }
0xa6: {  	s25 =	simm.s32 $0x1B8E;
	s24 =	sld [smem:$0x3FFE];
	[sflag:s23] =	ssyncadd.s32 $0xFFFFFFFF  }
0xa7: {  	s26 =	simm.s32 $execute0_lowered;
	[smem:$0x3FD2] =	sst s25  }
0xa8: {  	s7 =	sshll.u32 s26, $0x1;
	_ =	strace $0x80000046;
	[dreg:$0x1] =	wrdreg $0xFFFFFFFF  }
0xa9: {  	s28 =	simm.s32 $_size_execute0_lowered;
	s5 =	sadd.s32 s5, s7;
	[dreg:$0x0] =	wrdreg $0x0  }
0xaa: {  	s7 =	sshll.u32 s28, $0x1;
	[dreg:$0x2] =	wrdreg s5  }
0xab: {  	[dreg:$0x3] =	wrdreg s7  }
0xac: {  	[dreg:$0x4] =	wrdreg $0xC0  }
0xad: {  	_ =	task [dreg:s9], $0x5FFFF  }
0xae: {  	[dreg:$0x1] =	wrdreg $0xFFFFFFFF  }
0xaf: {  	[dreg:$0x0] =	wrdreg $0x60  }
0xb0: {  	[dreg:$0x2] =	wrdreg s24  }
0xb1: {  	[dreg:$0x3] =	wrdreg s2  }
0xb2: {  	[dreg:$0x4] =	wrdreg s18  }
0xb3: {  	[dreg:$0x5] =	wrdreg s4  }
0xb4: {  	[dreg:$0x6] =	wrdreg $0x9  }
0xb5: {  	_ =	task.clear_ibuf [dreg:s9], $0x7FFFF;
	_ =	strace $0x90000046  }
0xb6: {  	s29 =	simm.s32 $0x9;
	_ =	strace $0x80000048  }
0xb7: {  	_ =	swait.ge [sflag:s29], $0x1  }
0xb8: {  	[sflag:s29] =	ssyncadd.s32 $0xFFFFFFFF  }
0xb9: {  	_ =	strace $0x90000048  }
0xba: {  	_ =	sfence  }
0xbb: {  	s30 =	sld [smem:$0x0];
	_ =	sdelay $0x2  }
0xbc: {  	s31 =	sshll.u32 s1, $0xD;
	s1 =	sshrl.u32 s1, $0x2  }
0xbd: {  	s3 =	sand.u32 $0x4000, s31;
	s1 =	sadd.s32 s1, s30  }
0xbe: {  	s0 =	sor.u32 s3, s0;
	s1 =	sshll.u32 s1, $0x11  }
0xbf: {  	s0 =	sor.u32 s1, s0  }
0xc0: {  	s0 =	sadd.s32 $0x8F2B, s0  }
0xc1: {  	[sflag:s0] =	ssyncadd.remote.s32 $0x1  }
0xc2: {  	_ =	sfence.sel $0xFFFF  }
0xc3: {  	[dreg:$0x0] =	wrdreg $0xFFFFFFFF;
	(pc) =	sbr.abs _section_cstart, $3  }
0xc4: {  	[dreg:$0x1] =	wrdreg $0xFFFFFFFF  }
0xc5: {  	_ =	task.clear_ibuf [dreg:s9], $0x2FFFF;
	_ =	strace $0x9FFFFFFF  }
0xc6: {  	(tm) =	ssettm $0x7FFFFFFF  }
0xc7: {  	_ =	shalt  }
tec
execute0_lowered:
.L_overlay_start_1:
0x0: {  	(tag) =	ssettag $0x1  }
0x1: {  	s0 =	rddreg [dreg:$0x0]  }
0x2: {  	s1 =	rddreg [dreg:$0x1];
	s2 =	srdreg.scid  }
0x3: {  	s3 =	stileid.u32;
	s4 =	rddreg [dreg:$0x3]  }
0x4: {  	s5 =	simm.s32 $0x0;
	s14 =	simm.s32 $0x5;
	s15 =	simm.s32 $0x80  }
0x5: {  	s16 =	simm.s32 $0xA400;
	s17 =	simm.s32 $0x48;
	s19 =	simm.s32 $0xE400  }
0x6: {  	s20 =	simm.s32 $0x10800;
	s21 =	simm.s32 $0x480;
	s22 =	simm.s32 $0x14800  }
0x7: {  	s23 =	simm.s32 $0x1;
	s24 =	simm.s32 $0x2;
	s25 =	simm.s32 $0x16C00  }
0x8: {  	s26 =	simm.s32 $0x1AC00;
	s28 =	simm.s32 $0x3;
	s2 =	sand.u32 $0x1, s2  }
0x9: {  	s29 =	simm.s32 $0x4;
	s3 =	sshll.u32 s3, $0x8;
	s6 =	sshll.u32 s2, $0x7  }
0xa: {  	s30 =	simm.s32 $0x0;
	s2 =	ssub.s32 $0x2, s2;
	s6 =	sor.u32 s6, s3  }
0xb: {  	[smem:$0x7FF] =	sst s5;
	s8 =	sshrl.u32 s2, $0x1;
	s3 =	smul.u32 $0x6400, s6  }
0xc: {  	_ =	strace $0x80000047;
	s7 =	sshll.u32 s6, $0x5;
	s2 =	ssub.s32 s2, s8  }
0xd: {  	s9 =	sor.u32 $0x1, s6;
	s0 =	sadd.s32 s7, s0;
	s3 =	sshrl.u32 s3, $0x3  }
0xe: {  	s12 =	smax.u32 s2, $0x1;
	s7 =	sadd.s32 $0x400, s0;
	s31 =	sadd.s32 s4, s3  }
0xf: {  	s8 =	sadd.s32 $0xC00, s0;
	s10 =	sadd.s32 $0x62700, s31;
	s11 =	sadd.s32 $0x63380, s31  }
.LBB2_1:
0x10: {  	s0 =	rddreg [dreg:$0x2];
	s2 =	simm.s32 $0x4000  }
0x11: {  	[tilespmem:s2], [sflag:$0x5] =	stream.linear.gather [hbm4b:s0+s5], $0x6400, $0x38;
	[tilespmem:$0x1D000] =	vst v63  }
0x12: {  	_ =	swait.ge [sflag:s14], $0x6400  }
0x13: {  	[sflag:s14] =	ssyncset.done $0x0  }
0x14: {  	[sflag:s14] =	ssyncadd.s32 $0xFFFF9C00  }
0x15: {  	[tilespmem:s5], [sflag:$0x5] =	stream.linear.gather [hbm4b:s7+s5], $0x4000, $0x38;
	[tilespmem:$0x1D000] =	vst v63  }
0x16: {  	_ =	swait.ge [sflag:s14], $0x4000  }
0x17: {  	[sflag:s14] =	ssyncset.done $0x0  }
0x18: {  	[sflag:s14] =	ssyncadd.s32 $0xFFFFC000  }
0x19: {  	[tilespmem:s16], [sflag:$0x1] =	stream.indirect.gather [hbm4b:s1+s15], $0x80, s5, s15, $0xb8;
	[tilespmem:$0x1D000] =	vst v63  }
0x1a: {  	s18 =	simm.s32 $0x400  }
0x1b: {  	[tilespmem:s19], [sflag:$0x1] =	stream.indirect.gather [hbm4b:s1+s17], $0x80, s18, s17, $0xb8;
	[tilespmem:$0x1D000] =	vst v63  }
0x1c: {  	_ = 	snop  }
0x1d: {  	[tilespmem:s20], [sflag:$0x1] =	stream.indirect.gather [hbm4b:s1+s15], $0x80, s15, s15, $0xb8;
	[tilespmem:$0x1D000] =	vst v63  }
0x1e: {  	s31 =	simm.s32 $0x0  }
0x1f: {  	[tilespmem:s22], [sflag:$0x1] =	stream.indirect.gather [hbm4b:s1+s17], $0x80, s21, s17, $0xb8;
	[tilespmem:$0x1D000] =	vst v63  }
.LBB2_2:
0x20: {  	_ =	swait.ge [sflag:s23], $0x4000  }
0x21: {  	[sflag:s23] =	ssyncset.done $0x0  }
0x22: {  	[sflag:s23] =	ssyncadd.s32 $0xFFFFC000  }
0x23: {  	_ =	swait.ge [sflag:s23], $0x2400  }
0x24: {  	[sflag:s23] =	ssyncset.done $0x0  }
0x25: {  	s0 =	simm.s32 $0x0;
	[sflag:s23] =	ssyncadd.s32 $0xFFFFDC00  }
0x26: {  	v0 =	vld [tilespmem:s0+$0x40F0]  }
0x27: {  	v1 =	vld [tilespmem:s0+$0x4000]  }
0x28: {  	v2 =	vld [tilespmem:s0+$0x4010]  }
0x29: {  	v3 =	vld [tilespmem:s0+$0x4020]  }
0x2a: {  	v4 =	vld [tilespmem:s0+$0x4030]  }
0x2b: {  	v5 =	vld [tilespmem:s0+$0x4040]  }
0x2c: {  	v6 =	vld [tilespmem:s0+$0x4050]  }
0x2d: {  	v7 =	vld [tilespmem:s0+$0x4060]  }
0x2e: {  	v8 =	vld [tilespmem:s0+$0x4070]  }
0x2f: {  	v9 =	vld [tilespmem:s0+$0x4080]  }
0x30: {  	v10 =	vld [tilespmem:s0+$0x4090]  }
0x31: {  	v11 =	vld [tilespmem:s0+$0x40A0]  }
0x32: {  	v12 =	vld [tilespmem:s0+$0x40B0]  }
0x33: {  	v13 =	vld [tilespmem:s0+$0x40C0]  }
0x34: {  	v14 =	vld [tilespmem:s0+$0x40D0]  }
0x35: {  	[tilespmem:s0+$0xA4F0] =	vst.add.f32.msk $0xffff, v0  }
0x36: {  	v0 =	vld [tilespmem:s0+$0x40E0]  }
0x37: {  	[tilespmem:s0+$0xA400] =	vst.add.f32.msk $0xffff, v1  }
0x38: {  	[tilespmem:s0+$0xA410] =	vst.add.f32.msk $0xffff, v2  }
0x39: {  	[tilespmem:s0+$0xA420] =	vst.add.f32.msk $0xffff, v3  }
0x3a: {  	[tilespmem:s0+$0xA430] =	vst.add.f32.msk $0xffff, v4  }
0x3b: {  	[tilespmem:s0+$0xA440] =	vst.add.f32.msk $0xffff, v5  }
0x3c: {  	[tilespmem:s0+$0xA450] =	vst.add.f32.msk $0xffff, v6  }
0x3d: {  	[tilespmem:s0+$0xA460] =	vst.add.f32.msk $0xffff, v7  }
0x3e: {  	[tilespmem:s0+$0xA470] =	vst.add.f32.msk $0xffff, v8  }
0x3f: {  	[tilespmem:s0+$0xA480] =	vst.add.f32.msk $0xffff, v9  }
0x40: {  	[tilespmem:s0+$0xA490] =	vst.add.f32.msk $0xffff, v10  }
0x41: {  	[tilespmem:s0+$0xA4A0] =	vst.add.f32.msk $0xffff, v11  }
0x42: {  	[tilespmem:s0+$0xA4B0] =	vst.add.f32.msk $0xffff, v12  }
0x43: {  	[tilespmem:s0+$0xA4C0] =	vst.add.f32.msk $0xffff, v13  }
0x44: {  	s2 =	simm.s32 $0x0;
	s3 =	simm.s32 $0x400;
	[tilespmem:s0+$0xA4D0] =	vst.add.f32.msk $0xffff, v14  }
.LBB2_3:
0x45: {  	s2 =	sadd.s32 $0x2, s2;
	[tilespmem:s0+$0xA4E0] =	vst.add.f32.msk $0xffff, v0;
	s0 =	sshra.s32 s3, $0x2  }
0x46: {  	v0 =	vld [tilespmem:s0+$0x40F0];
	p0 =	slt.u32 s2, $0xC6  }
0x47: {  	v1 =	vld [tilespmem:s0+$0x4000]  }
0x48: {  	v2 =	vld [tilespmem:s0+$0x4010]  }
0x49: {  	v3 =	vld [tilespmem:s0+$0x4020]  }
0x4a: {  	v4 =	vld [tilespmem:s0+$0x4030]  }
0x4b: {  	[tilespmem:s0+$0xA4F0] =	vst.add.f32.msk $0xffff, v0  }
0x4c: {  	v5 =	vld [tilespmem:s0+$0x4040]  }
0x4d: {  	v6 =	vld [tilespmem:s0+$0x4050]  }
0x4e: {  	v7 =	vld [tilespmem:s0+$0x4060]  }
0x4f: {  	v8 =	vld [tilespmem:s0+$0x4070]  }
0x50: {  	v9 =	vld [tilespmem:s0+$0x4080]  }
0x51: {  	v10 =	vld [tilespmem:s0+$0x4090]  }
0x52: {  	v11 =	vld [tilespmem:s0+$0x40A0]  }
0x53: {  	v12 =	vld [tilespmem:s0+$0x40B0]  }
0x54: {  	v13 =	vld [tilespmem:s0+$0x40C0]  }
0x55: {  	v14 =	vld [tilespmem:s0+$0x40D0]  }
0x56: {  	v0 =	vld [tilespmem:s0+$0x40E0]  }
0x57: {  	[tilespmem:s0+$0xA400] =	vst.add.f32.msk $0xffff, v1  }
0x58: {  	[tilespmem:s0+$0xA410] =	vst.add.f32.msk $0xffff, v2  }
0x59: {  	[tilespmem:s0+$0xA420] =	vst.add.f32.msk $0xffff, v3  }
0x5a: {  	[tilespmem:s0+$0xA430] =	vst.add.f32.msk $0xffff, v4  }
0x5b: {  	[tilespmem:s0+$0xA440] =	vst.add.f32.msk $0xffff, v5  }
0x5c: {  	[tilespmem:s0+$0xA450] =	vst.add.f32.msk $0xffff, v6  }
0x5d: {  	[tilespmem:s0+$0xA460] =	vst.add.f32.msk $0xffff, v7  }
0x5e: {  	[tilespmem:s0+$0xA470] =	vst.add.f32.msk $0xffff, v8  }
0x5f: {  	[tilespmem:s0+$0xA480] =	vst.add.f32.msk $0xffff, v9  }
.Ltmp0:
0x60: {  	[tilespmem:s0+$0xA490] =	vst.add.f32.msk $0xffff, v10;
	(pc) =	sbr.rel @p0 .LBB2_3-.Ltmp0, $4  }
0x61: {  	[tilespmem:s0+$0xA4A0] =	vst.add.f32.msk $0xffff, v11  }
0x62: {  	[tilespmem:s0+$0xA4B0] =	vst.add.f32.msk $0xffff, v12  }
0x63: {  	[tilespmem:s0+$0xA4C0] =	vst.add.f32.msk $0xffff, v13  }
0x64: {  	s3 =	sadd.s32 $0x400, s3;
	[tilespmem:s0+$0xA4D0] =	vst.add.f32.msk $0xffff, v14  }
0x65: {  	s2 =	smul.u32 $0x3, s31;
	_ =	sdelay $0x1  }
0x66: {  	s3 =	sadd.s32 s6, s2  }
0x67: {  	s3 =	smul.u32 $0xC80, s3  }
0x68: {  	p0 =	seq.s32 s31, $0x0  }
0x69: {  	[tilespmem:s0+$0xA4E0] =	vst.add.f32.msk $0xffff, v0;
	s0 =	sadd.s32 @!p0 $0x2, s2;
	s13 =	sadd.s32 s4, s3;
	s3 =	simm.s32 @!p0 $0x4  }
0x6a: {  	[hbm4b:s13+s5] =	stream.linear.scatter [tilespmem:s16], [sflag:$0x2], $0x6400, $0x38;
	[tilespmem:$0x1D000] =	vst v63  }
0x6b: {  	p1 =	sne.s32 @!p0 s0, $0x40;
	_ =	swait.ge @!p0 [sflag:s3], $0x6400  }
0x6c: {  	p2 =	por p1, p0;
	p1 =	por !p1, p0;
	[sflag:s3] =	ssyncset.done @!p0 $0x0  }
0x6d: {  	s0 =	simm.s32 @p1 $0x40;
	[sflag:s3] =	ssyncadd.s32 @!p0 $0xFFFF9C00;
	s3 =	simm.s32 @!p2 $0x0  }
0x6e: {  	[tilespmem:s3], [sflag:$0x5] =	stream.linear.gather @!p2 [hbm4b:s8+s3], $0x4000, $0x38;
	[tilespmem:$0x1D000] =	vst v63  }
0x6f: {  	s0 =	simm.s32 @p0 $0x2;
	s3 =	simm.s32 @!p2 $0x5  }
0x70: {  	s13 =	sshll.u32 s0, $0x8;
	s18 =	sshll.u32 s0, $0x7;
	_ =	swait.ge @!p2 [sflag:s3], $0x4000  }
0x71: {  	s13 =	sand.u32 $0x3800, s13;
	s18 =	sand.u32 $0x380, s18;
	[sflag:s3] =	ssyncset.done @!p2 $0x0  }
0x72: {  	s18 =	sor.u32 s18, s13;
	[sflag:s3] =	ssyncadd.s32 @!p2 $0xFFFFC000  }
0x73: {  	[tilespmem:s25], [sflag:$0x1] =	stream.indirect.gather [hbm4b:s1+s15], $0x80, s18, s15, $0xb8;
	[tilespmem:$0x1D000] =	vst v63  }
0x74: {  	s3 =	sor.u32 $0x400, s18  }
0x75: {  	[tilespmem:s26], [sflag:$0x1] =	stream.indirect.gather [hbm4b:s1+s17], $0x80, s3, s17, $0xb8;
	[tilespmem:$0x1D000] =	vst v63  }
0x76: {  	_ =	swait.ge [sflag:s23], $0x4000  }
0x77: {  	[sflag:s23] =	ssyncset.done $0x0  }
0x78: {  	[sflag:s23] =	ssyncadd.s32 $0xFFFFC000  }
0x79: {  	_ =	swait.ge [sflag:s23], $0x2400  }
0x7a: {  	[sflag:s23] =	ssyncset.done $0x0  }
0x7b: {  	s3 =	simm.s32 $0x0;
	[sflag:s23] =	ssyncadd.s32 $0xFFFFDC00  }
0x7c: {  	v0 =	vld [tilespmem:s3+$0x40F0]  }
0x7d: {  	v1 =	vld [tilespmem:s3+$0x4000]  }
0x7e: {  	v2 =	vld [tilespmem:s3+$0x4010]  }
0x7f: {  	v3 =	vld [tilespmem:s3+$0x4020]  }
0x80: {  	v4 =	vld [tilespmem:s3+$0x4030]  }
0x81: {  	v5 =	vld [tilespmem:s3+$0x4040]  }
0x82: {  	v6 =	vld [tilespmem:s3+$0x4050]  }
0x83: {  	v7 =	vld [tilespmem:s3+$0x4060]  }
0x84: {  	v8 =	vld [tilespmem:s3+$0x4070]  }
0x85: {  	v9 =	vld [tilespmem:s3+$0x4080]  }
0x86: {  	v10 =	vld [tilespmem:s3+$0x4090]  }
0x87: {  	v11 =	vld [tilespmem:s3+$0x40A0]  }
0x88: {  	v12 =	vld [tilespmem:s3+$0x40B0]  }
0x89: {  	v13 =	vld [tilespmem:s3+$0x40C0]  }
0x8a: {  	v14 =	vld [tilespmem:s3+$0x40D0]  }
0x8b: {  	[tilespmem:s3+$0x108F0] =	vst.add.f32.msk $0xffff, v0  }
0x8c: {  	v0 =	vld [tilespmem:s3+$0x40E0]  }
0x8d: {  	[tilespmem:s3+$0x10800] =	vst.add.f32.msk $0xffff, v1  }
0x8e: {  	[tilespmem:s3+$0x10810] =	vst.add.f32.msk $0xffff, v2  }
0x8f: {  	[tilespmem:s3+$0x10820] =	vst.add.f32.msk $0xffff, v3  }
0x90: {  	[tilespmem:s3+$0x10830] =	vst.add.f32.msk $0xffff, v4  }
0x91: {  	[tilespmem:s3+$0x10840] =	vst.add.f32.msk $0xffff, v5  }
0x92: {  	[tilespmem:s3+$0x10850] =	vst.add.f32.msk $0xffff, v6  }
0x93: {  	[tilespmem:s3+$0x10860] =	vst.add.f32.msk $0xffff, v7  }
0x94: {  	[tilespmem:s3+$0x10870] =	vst.add.f32.msk $0xffff, v8  }
0x95: {  	[tilespmem:s3+$0x10880] =	vst.add.f32.msk $0xffff, v9  }
0x96: {  	[tilespmem:s3+$0x10890] =	vst.add.f32.msk $0xffff, v10  }
0x97: {  	[tilespmem:s3+$0x108A0] =	vst.add.f32.msk $0xffff, v11  }
0x98: {  	[tilespmem:s3+$0x108B0] =	vst.add.f32.msk $0xffff, v12  }
0x99: {  	[tilespmem:s3+$0x108C0] =	vst.add.f32.msk $0xffff, v13  }
0x9a: {  	s13 =	simm.s32 $0x0;
	s18 =	simm.s32 $0x400;
	[tilespmem:s3+$0x108D0] =	vst.add.f32.msk $0xffff, v14  }
.LBB2_5:
0x9b: {  	s13 =	sadd.s32 $0x2, s13;
	[tilespmem:s3+$0x108E0] =	vst.add.f32.msk $0xffff, v0;
	s3 =	sshra.s32 s18, $0x2  }
0x9c: {  	v0 =	vld [tilespmem:s3+$0x40F0];
	p0 =	slt.u32 s13, $0xC6  }
0x9d: {  	v1 =	vld [tilespmem:s3+$0x4000]  }
0x9e: {  	v2 =	vld [tilespmem:s3+$0x4010]  }
0x9f: {  	v3 =	vld [tilespmem:s3+$0x4020]  }
0xa0: {  	v4 =	vld [tilespmem:s3+$0x4030]  }
0xa1: {  	[tilespmem:s3+$0x108F0] =	vst.add.f32.msk $0xffff, v0  }
0xa2: {  	v5 =	vld [tilespmem:s3+$0x4040]  }
0xa3: {  	v6 =	vld [tilespmem:s3+$0x4050]  }
0xa4: {  	v7 =	vld [tilespmem:s3+$0x4060]  }
0xa5: {  	v8 =	vld [tilespmem:s3+$0x4070]  }
0xa6: {  	v9 =	vld [tilespmem:s3+$0x4080]  }
0xa7: {  	v10 =	vld [tilespmem:s3+$0x4090]  }
0xa8: {  	v11 =	vld [tilespmem:s3+$0x40A0]  }
0xa9: {  	v12 =	vld [tilespmem:s3+$0x40B0]  }
0xaa: {  	v13 =	vld [tilespmem:s3+$0x40C0]  }
0xab: {  	v14 =	vld [tilespmem:s3+$0x40D0]  }
0xac: {  	v0 =	vld [tilespmem:s3+$0x40E0]  }
0xad: {  	[tilespmem:s3+$0x10800] =	vst.add.f32.msk $0xffff, v1  }
0xae: {  	[tilespmem:s3+$0x10810] =	vst.add.f32.msk $0xffff, v2  }
0xaf: {  	[tilespmem:s3+$0x10820] =	vst.add.f32.msk $0xffff, v3  }
0xb0: {  	[tilespmem:s3+$0x10830] =	vst.add.f32.msk $0xffff, v4  }
0xb1: {  	[tilespmem:s3+$0x10840] =	vst.add.f32.msk $0xffff, v5  }
0xb2: {  	[tilespmem:s3+$0x10850] =	vst.add.f32.msk $0xffff, v6  }
0xb3: {  	[tilespmem:s3+$0x10860] =	vst.add.f32.msk $0xffff, v7  }
0xb4: {  	[tilespmem:s3+$0x10870] =	vst.add.f32.msk $0xffff, v8  }
0xb5: {  	[tilespmem:s3+$0x10880] =	vst.add.f32.msk $0xffff, v9  }
.Ltmp1:
0xb6: {  	[tilespmem:s3+$0x10890] =	vst.add.f32.msk $0xffff, v10;
	(pc) =	sbr.rel @p0 .LBB2_5-.Ltmp1, $4  }
0xb7: {  	[tilespmem:s3+$0x108A0] =	vst.add.f32.msk $0xffff, v11  }
0xb8: {  	[tilespmem:s3+$0x108B0] =	vst.add.f32.msk $0xffff, v12  }
0xb9: {  	[tilespmem:s3+$0x108C0] =	vst.add.f32.msk $0xffff, v13  }
0xba: {  	s18 =	sadd.s32 $0x400, s18;
	[tilespmem:s3+$0x108D0] =	vst.add.f32.msk $0xffff, v14  }
0xbb: {  	s13 =	sadd.s32 s2, s9  }
0xbc: {  	s13 =	smul.u32 $0xC80, s13;
	_ =	sdelay $0x1  }
0xbd: {  	[tilespmem:s3+$0x108E0] =	vst.add.f32.msk $0xffff, v0;
	s18 =	sadd.s32 s4, s13  }
0xbe: {  	[hbm4b:s18+s5] =	stream.linear.scatter [tilespmem:s20], [sflag:$0x3], $0x6400, $0x38;
	[tilespmem:$0x1D000] =	vst v63  }
0xbf: {  	s3 =	sadd.s32 $0x3, s2;
	_ =	swait.ge [sflag:s24], $0x6400  }
0xc0: {  	p0 =	sne.s32 s3, $0x40;
	[sflag:s24] =	ssyncset.done $0x0  }
0xc1: {  	s13 =	simm.s32 @!p0 $0x0;
	[sflag:s24] =	ssyncadd.s32 $0xFFFF9C00  }
0xc2: {  	[tilespmem:s13], [sflag:$0x5] =	stream.linear.gather @!p0 [hbm4b:s8+s13], $0x4000, $0x38;
	[tilespmem:$0x1D000] =	vst v63  }
0xc3: {  	s13 =	simm.s32 @!p0 $0x5  }
0xc4: {  	s18 =	sshll.u32 s3, $0x8;
	s3 =	sshll.u32 s3, $0x7;
	_ =	swait.ge @!p0 [sflag:s13], $0x4000  }
0xc5: {  	s18 =	sand.u32 $0x3800, s18;
	s3 =	sand.u32 $0x380, s3;
	[sflag:s13] =	ssyncset.done @!p0 $0x0  }
0xc6: {  	s3 =	sor.u32 s3, s18;
	[sflag:s13] =	ssyncadd.s32 @!p0 $0xFFFFC000  }
0xc7: {  	[tilespmem:s16], [sflag:$0x1] =	stream.indirect.gather [hbm4b:s1+s15], $0x80, s3, s15, $0xb8;
	[tilespmem:$0x1D000] =	vst v63  }
0xc8: {  	s3 =	sor.u32 $0x400, s3  }
0xc9: {  	[tilespmem:s19], [sflag:$0x1] =	stream.indirect.gather [hbm4b:s1+s17], $0x80, s3, s17, $0xb8;
	[tilespmem:$0x1D000] =	vst v63  }
0xca: {  	_ =	swait.ge [sflag:s23], $0x4000  }
0xcb: {  	[sflag:s23] =	ssyncset.done $0x0  }
0xcc: {  	[sflag:s23] =	ssyncadd.s32 $0xFFFFC000  }
0xcd: {  	_ =	swait.ge [sflag:s23], $0x2400  }
0xce: {  	[sflag:s23] =	ssyncset.done $0x0  }
0xcf: {  	s3 =	simm.s32 $0x0;
	[sflag:s23] =	ssyncadd.s32 $0xFFFFDC00  }
0xd0: {  	v0 =	vld [tilespmem:s3+$0x40F0]  }
0xd1: {  	v1 =	vld [tilespmem:s3+$0x4000]  }
0xd2: {  	v2 =	vld [tilespmem:s3+$0x4010]  }
0xd3: {  	v3 =	vld [tilespmem:s3+$0x4020]  }
0xd4: {  	v4 =	vld [tilespmem:s3+$0x4030]  }
0xd5: {  	v5 =	vld [tilespmem:s3+$0x4040]  }
0xd6: {  	v6 =	vld [tilespmem:s3+$0x4050]  }
0xd7: {  	v7 =	vld [tilespmem:s3+$0x4060]  }
0xd8: {  	v8 =	vld [tilespmem:s3+$0x4070]  }
0xd9: {  	v9 =	vld [tilespmem:s3+$0x4080]  }
0xda: {  	v10 =	vld [tilespmem:s3+$0x4090]  }
0xdb: {  	v11 =	vld [tilespmem:s3+$0x40A0]  }
0xdc: {  	v12 =	vld [tilespmem:s3+$0x40B0]  }
0xdd: {  	v13 =	vld [tilespmem:s3+$0x40C0]  }
0xde: {  	v14 =	vld [tilespmem:s3+$0x40D0]  }
0xdf: {  	[tilespmem:s3+$0x16CF0] =	vst.add.f32.msk $0xffff, v0  }
0xe0: {  	v0 =	vld [tilespmem:s3+$0x40E0]  }
0xe1: {  	[tilespmem:s3+$0x16C00] =	vst.add.f32.msk $0xffff, v1  }
0xe2: {  	[tilespmem:s3+$0x16C10] =	vst.add.f32.msk $0xffff, v2  }
0xe3: {  	[tilespmem:s3+$0x16C20] =	vst.add.f32.msk $0xffff, v3  }
0xe4: {  	[tilespmem:s3+$0x16C30] =	vst.add.f32.msk $0xffff, v4  }
0xe5: {  	[tilespmem:s3+$0x16C40] =	vst.add.f32.msk $0xffff, v5  }
0xe6: {  	[tilespmem:s3+$0x16C50] =	vst.add.f32.msk $0xffff, v6  }
0xe7: {  	[tilespmem:s3+$0x16C60] =	vst.add.f32.msk $0xffff, v7  }
0xe8: {  	[tilespmem:s3+$0x16C70] =	vst.add.f32.msk $0xffff, v8  }
0xe9: {  	[tilespmem:s3+$0x16C80] =	vst.add.f32.msk $0xffff, v9  }
0xea: {  	[tilespmem:s3+$0x16C90] =	vst.add.f32.msk $0xffff, v10  }
0xeb: {  	[tilespmem:s3+$0x16CA0] =	vst.add.f32.msk $0xffff, v11  }
0xec: {  	[tilespmem:s3+$0x16CB0] =	vst.add.f32.msk $0xffff, v12  }
0xed: {  	[tilespmem:s3+$0x16CC0] =	vst.add.f32.msk $0xffff, v13  }
0xee: {  	s18 =	simm.s32 $0x400;
	s13 =	simm.s32 $0x0;
	[tilespmem:s3+$0x16CD0] =	vst.add.f32.msk $0xffff, v14  }
.LBB2_7:
0xef: {  	s13 =	sadd.s32 $0x2, s13;
	[tilespmem:s3+$0x16CE0] =	vst.add.f32.msk $0xffff, v0;
	s3 =	sshra.s32 s18, $0x2  }
0xf0: {  	v0 =	vld [tilespmem:s3+$0x40F0];
	p0 =	slt.u32 s13, $0xC6  }
0xf1: {  	v1 =	vld [tilespmem:s3+$0x4000]  }
0xf2: {  	v2 =	vld [tilespmem:s3+$0x4010]  }
0xf3: {  	v3 =	vld [tilespmem:s3+$0x4020]  }
0xf4: {  	v4 =	vld [tilespmem:s3+$0x4030]  }
0xf5: {  	[tilespmem:s3+$0x16CF0] =	vst.add.f32.msk $0xffff, v0  }
0xf6: {  	v5 =	vld [tilespmem:s3+$0x4040]  }
0xf7: {  	v6 =	vld [tilespmem:s3+$0x4050]  }
0xf8: {  	v7 =	vld [tilespmem:s3+$0x4060]  }
0xf9: {  	v8 =	vld [tilespmem:s3+$0x4070]  }
0xfa: {  	v9 =	vld [tilespmem:s3+$0x4080]  }
0xfb: {  	v10 =	vld [tilespmem:s3+$0x4090]  }
0xfc: {  	v11 =	vld [tilespmem:s3+$0x40A0]  }
0xfd: {  	v12 =	vld [tilespmem:s3+$0x40B0]  }
0xfe: {  	v13 =	vld [tilespmem:s3+$0x40C0]  }
0xff: {  	v14 =	vld [tilespmem:s3+$0x40D0]  }
0x100: {  	v0 =	vld [tilespmem:s3+$0x40E0]  }
0x101: {  	[tilespmem:s3+$0x16C00] =	vst.add.f32.msk $0xffff, v1  }
0x102: {  	[tilespmem:s3+$0x16C10] =	vst.add.f32.msk $0xffff, v2  }
0x103: {  	[tilespmem:s3+$0x16C20] =	vst.add.f32.msk $0xffff, v3  }
0x104: {  	[tilespmem:s3+$0x16C30] =	vst.add.f32.msk $0xffff, v4  }
0x105: {  	[tilespmem:s3+$0x16C40] =	vst.add.f32.msk $0xffff, v5  }
0x106: {  	[tilespmem:s3+$0x16C50] =	vst.add.f32.msk $0xffff, v6  }
0x107: {  	[tilespmem:s3+$0x16C60] =	vst.add.f32.msk $0xffff, v7  }
0x108: {  	[tilespmem:s3+$0x16C70] =	vst.add.f32.msk $0xffff, v8  }
0x109: {  	[tilespmem:s3+$0x16C80] =	vst.add.f32.msk $0xffff, v9  }
.Ltmp2:
0x10a: {  	[tilespmem:s3+$0x16C90] =	vst.add.f32.msk $0xffff, v10;
	(pc) =	sbr.rel @p0 .LBB2_7-.Ltmp2, $4  }
0x10b: {  	[tilespmem:s3+$0x16CA0] =	vst.add.f32.msk $0xffff, v11  }
0x10c: {  	[tilespmem:s3+$0x16CB0] =	vst.add.f32.msk $0xffff, v12  }
0x10d: {  	[tilespmem:s3+$0x16CC0] =	vst.add.f32.msk $0xffff, v13  }
0x10e: {  	s18 =	sadd.s32 $0x400, s18;
	[tilespmem:s3+$0x16CD0] =	vst.add.f32.msk $0xffff, v14  }
0x10f: {  	s0 =	sadd.s32 s6, s0  }
0x110: {  	s0 =	smul.u32 $0xC80, s0;
	_ =	sdelay $0x1  }
0x111: {  	[tilespmem:s3+$0x16CE0] =	vst.add.f32.msk $0xffff, v0;
	s0 =	sadd.s32 s4, s0  }
0x112: {  	[hbm4b:s0+s5] =	stream.linear.scatter [tilespmem:s25], [sflag:$0x4], $0x6400, $0x38;
	[tilespmem:$0x1D000] =	vst v63  }
0x113: {  	s13 =	sadd.s32 $0x4, s2;
	_ =	swait.ge [sflag:s28], $0x6400  }
0x114: {  	p0 =	sne.s32 s13, $0x40;
	[sflag:s28] =	ssyncset.done $0x0  }
0x115: {  	s2 =	simm.s32 @!p0 $0x0;
	[sflag:s28] =	ssyncadd.s32 $0xFFFF9C00  }
0x116: {  	[tilespmem:s2], [sflag:$0x5] =	stream.linear.gather @!p0 [hbm4b:s8+s2], $0x4000, $0x38;
	[tilespmem:$0x1D000] =	vst v63  }
0x117: {  	s2 =	simm.s32 @!p0 $0x5  }
0x118: {  	_ =	swait.ge @!p0 [sflag:s2], $0x4000  }
0x119: {  	s31 =	sadd.s32 $0x1, s31;
	s18 =	sshll.u32 s13, $0x8;
	[sflag:s2] =	ssyncset.done @!p0 $0x0  }
0x11a: {  	s0 =	sshll.u32 s13, $0x7;
	[sflag:s2] =	ssyncadd.s32 @!p0 $0xFFFFC000;
	p0 =	sne.s32 s31, $0x2A  }
.Ltmp3:
0x11b: {  	s3 =	sand.u32 $0x3800, s18;
	s0 =	sand.u32 $0x380, s0;
	(pc) =	sbr.rel @p0 .LBB2_2-.Ltmp3, $4  }
0x11c: {  	s0 =	sor.u32 s0, s3  }
0x11d: {  	[tilespmem:s20], [sflag:$0x1] =	stream.indirect.gather [hbm4b:s1+s15], $0x80, s0, s15, $0xb8;
	[tilespmem:$0x1D000] =	vst v63  }
0x11e: {  	s0 =	sor.u32 $0x400, s0  }
0x11f: {  	[tilespmem:s22], [sflag:$0x1] =	stream.indirect.gather [hbm4b:s1+s17], $0x80, s0, s17, $0xb8;
	[tilespmem:$0x1D000] =	vst v63  }
0x120: {  	_ =	swait.ge [sflag:s23], $0x4000  }
0x121: {  	[sflag:s23] =	ssyncset.done $0x0  }
0x122: {  	[sflag:s23] =	ssyncadd.s32 $0xFFFFC000  }
0x123: {  	_ =	swait.ge [sflag:s23], $0x2400  }
0x124: {  	[sflag:s23] =	ssyncset.done $0x0  }
0x125: {  	s0 =	simm.s32 $0x0;
	[sflag:s23] =	ssyncadd.s32 $0xFFFFDC00  }
0x126: {  	v0 =	vld [tilespmem:s0+$0x40F0]  }
0x127: {  	v1 =	vld [tilespmem:s0+$0x4000]  }
0x128: {  	v2 =	vld [tilespmem:s0+$0x4010]  }
0x129: {  	v3 =	vld [tilespmem:s0+$0x4020]  }
0x12a: {  	v4 =	vld [tilespmem:s0+$0x4030]  }
0x12b: {  	v5 =	vld [tilespmem:s0+$0x4040]  }
0x12c: {  	v6 =	vld [tilespmem:s0+$0x4050]  }
0x12d: {  	v7 =	vld [tilespmem:s0+$0x4060]  }
0x12e: {  	v8 =	vld [tilespmem:s0+$0x4070]  }
0x12f: {  	v9 =	vld [tilespmem:s0+$0x4080]  }
0x130: {  	v10 =	vld [tilespmem:s0+$0x4090]  }
0x131: {  	v11 =	vld [tilespmem:s0+$0x40A0]  }
0x132: {  	v12 =	vld [tilespmem:s0+$0x40B0]  }
0x133: {  	v13 =	vld [tilespmem:s0+$0x40C0]  }
0x134: {  	v14 =	vld [tilespmem:s0+$0x40D0]  }
0x135: {  	[tilespmem:s0+$0xA4F0] =	vst.add.f32.msk $0xffff, v0  }
0x136: {  	v0 =	vld [tilespmem:s0+$0x40E0]  }
0x137: {  	[tilespmem:s0+$0xA400] =	vst.add.f32.msk $0xffff, v1  }
0x138: {  	[tilespmem:s0+$0xA410] =	vst.add.f32.msk $0xffff, v2  }
0x139: {  	[tilespmem:s0+$0xA420] =	vst.add.f32.msk $0xffff, v3  }
0x13a: {  	[tilespmem:s0+$0xA430] =	vst.add.f32.msk $0xffff, v4  }
0x13b: {  	[tilespmem:s0+$0xA440] =	vst.add.f32.msk $0xffff, v5  }
0x13c: {  	[tilespmem:s0+$0xA450] =	vst.add.f32.msk $0xffff, v6  }
0x13d: {  	[tilespmem:s0+$0xA460] =	vst.add.f32.msk $0xffff, v7  }
0x13e: {  	[tilespmem:s0+$0xA470] =	vst.add.f32.msk $0xffff, v8  }
0x13f: {  	[tilespmem:s0+$0xA480] =	vst.add.f32.msk $0xffff, v9  }
0x140: {  	[tilespmem:s0+$0xA490] =	vst.add.f32.msk $0xffff, v10  }
0x141: {  	[tilespmem:s0+$0xA4A0] =	vst.add.f32.msk $0xffff, v11  }
0x142: {  	[tilespmem:s0+$0xA4B0] =	vst.add.f32.msk $0xffff, v12  }
0x143: {  	[tilespmem:s0+$0xA4C0] =	vst.add.f32.msk $0xffff, v13  }
0x144: {  	s2 =	simm.s32 $0x0;
	s3 =	simm.s32 $0x400;
	[tilespmem:s0+$0xA4D0] =	vst.add.f32.msk $0xffff, v14  }
.LBB2_10:
0x145: {  	s2 =	sadd.s32 $0x2, s2;
	[tilespmem:s0+$0xA4E0] =	vst.add.f32.msk $0xffff, v0;
	s0 =	sshra.s32 s3, $0x2  }
0x146: {  	v0 =	vld [tilespmem:s0+$0x40F0];
	p0 =	slt.u32 s2, $0xC6  }
0x147: {  	v1 =	vld [tilespmem:s0+$0x4000]  }
0x148: {  	v2 =	vld [tilespmem:s0+$0x4010]  }
0x149: {  	v3 =	vld [tilespmem:s0+$0x4020]  }
0x14a: {  	v4 =	vld [tilespmem:s0+$0x4030]  }
0x14b: {  	[tilespmem:s0+$0xA4F0] =	vst.add.f32.msk $0xffff, v0  }
0x14c: {  	v5 =	vld [tilespmem:s0+$0x4040]  }
0x14d: {  	v6 =	vld [tilespmem:s0+$0x4050]  }
0x14e: {  	v7 =	vld [tilespmem:s0+$0x4060]  }
0x14f: {  	v8 =	vld [tilespmem:s0+$0x4070]  }
0x150: {  	v9 =	vld [tilespmem:s0+$0x4080]  }
0x151: {  	v10 =	vld [tilespmem:s0+$0x4090]  }
0x152: {  	v11 =	vld [tilespmem:s0+$0x40A0]  }
0x153: {  	v12 =	vld [tilespmem:s0+$0x40B0]  }
0x154: {  	v13 =	vld [tilespmem:s0+$0x40C0]  }
0x155: {  	v14 =	vld [tilespmem:s0+$0x40D0]  }
0x156: {  	v0 =	vld [tilespmem:s0+$0x40E0]  }
0x157: {  	[tilespmem:s0+$0xA400] =	vst.add.f32.msk $0xffff, v1  }
0x158: {  	[tilespmem:s0+$0xA410] =	vst.add.f32.msk $0xffff, v2  }
0x159: {  	[tilespmem:s0+$0xA420] =	vst.add.f32.msk $0xffff, v3  }
0x15a: {  	[tilespmem:s0+$0xA430] =	vst.add.f32.msk $0xffff, v4  }
0x15b: {  	[tilespmem:s0+$0xA440] =	vst.add.f32.msk $0xffff, v5  }
0x15c: {  	[tilespmem:s0+$0xA450] =	vst.add.f32.msk $0xffff, v6  }
0x15d: {  	[tilespmem:s0+$0xA460] =	vst.add.f32.msk $0xffff, v7  }
0x15e: {  	[tilespmem:s0+$0xA470] =	vst.add.f32.msk $0xffff, v8  }
0x15f: {  	[tilespmem:s0+$0xA480] =	vst.add.f32.msk $0xffff, v9  }
.Ltmp4:
0x160: {  	[tilespmem:s0+$0xA490] =	vst.add.f32.msk $0xffff, v10;
	(pc) =	sbr.rel @p0 .LBB2_10-.Ltmp4, $4  }
0x161: {  	[tilespmem:s0+$0xA4A0] =	vst.add.f32.msk $0xffff, v11  }
0x162: {  	[tilespmem:s0+$0xA4B0] =	vst.add.f32.msk $0xffff, v12  }
0x163: {  	[tilespmem:s0+$0xA4C0] =	vst.add.f32.msk $0xffff, v13  }
0x164: {  	s3 =	sadd.s32 $0x400, s3;
	[tilespmem:s0+$0xA4D0] =	vst.add.f32.msk $0xffff, v14  }
0x165: {  	[tilespmem:s0+$0xA4E0] =	vst.add.f32.msk $0xffff, v0;
	s31 =	simm.s32 $0x0  }
0x166: {  	[hbm4b:s10+s31] =	stream.linear.scatter [tilespmem:s16], [sflag:$0x2], $0x6400, $0x38;
	[tilespmem:$0x1D000] =	vst v63  }
0x167: {  	_ =	swait.ge [sflag:s29], $0x6400  }
0x168: {  	[sflag:s29] =	ssyncset.done $0x0  }
0x169: {  	[sflag:s29] =	ssyncadd.s32 $0xFFFF9C00  }
0x16a: {  	_ =	swait.ge [sflag:s23], $0x4000  }
0x16b: {  	[sflag:s23] =	ssyncset.done $0x0  }
0x16c: {  	[sflag:s23] =	ssyncadd.s32 $0xFFFFC000  }
0x16d: {  	_ =	swait.ge [sflag:s23], $0x2400  }
0x16e: {  	[sflag:s23] =	ssyncset.done $0x0  }
0x16f: {  	s0 =	simm.s32 $0x0;
	[sflag:s23] =	ssyncadd.s32 $0xFFFFDC00  }
0x170: {  	v0 =	vld [tilespmem:s0+$0x40F0]  }
0x171: {  	v1 =	vld [tilespmem:s0+$0x4000]  }
0x172: {  	v2 =	vld [tilespmem:s0+$0x4010]  }
0x173: {  	v3 =	vld [tilespmem:s0+$0x4020]  }
0x174: {  	v4 =	vld [tilespmem:s0+$0x4030]  }
0x175: {  	v5 =	vld [tilespmem:s0+$0x4040]  }
0x176: {  	v6 =	vld [tilespmem:s0+$0x4050]  }
0x177: {  	v7 =	vld [tilespmem:s0+$0x4060]  }
0x178: {  	v8 =	vld [tilespmem:s0+$0x4070]  }
0x179: {  	v9 =	vld [tilespmem:s0+$0x4080]  }
0x17a: {  	v10 =	vld [tilespmem:s0+$0x4090]  }
0x17b: {  	v11 =	vld [tilespmem:s0+$0x40A0]  }
0x17c: {  	v12 =	vld [tilespmem:s0+$0x40B0]  }
0x17d: {  	v13 =	vld [tilespmem:s0+$0x40C0]  }
0x17e: {  	v14 =	vld [tilespmem:s0+$0x40D0]  }
0x17f: {  	[tilespmem:s0+$0x108F0] =	vst.add.f32.msk $0xffff, v0  }
0x180: {  	v0 =	vld [tilespmem:s0+$0x40E0]  }
0x181: {  	[tilespmem:s0+$0x10800] =	vst.add.f32.msk $0xffff, v1  }
0x182: {  	[tilespmem:s0+$0x10810] =	vst.add.f32.msk $0xffff, v2  }
0x183: {  	[tilespmem:s0+$0x10820] =	vst.add.f32.msk $0xffff, v3  }
0x184: {  	[tilespmem:s0+$0x10830] =	vst.add.f32.msk $0xffff, v4  }
0x185: {  	[tilespmem:s0+$0x10840] =	vst.add.f32.msk $0xffff, v5  }
0x186: {  	[tilespmem:s0+$0x10850] =	vst.add.f32.msk $0xffff, v6  }
0x187: {  	[tilespmem:s0+$0x10860] =	vst.add.f32.msk $0xffff, v7  }
0x188: {  	[tilespmem:s0+$0x10870] =	vst.add.f32.msk $0xffff, v8  }
0x189: {  	[tilespmem:s0+$0x10880] =	vst.add.f32.msk $0xffff, v9  }
0x18a: {  	[tilespmem:s0+$0x10890] =	vst.add.f32.msk $0xffff, v10  }
0x18b: {  	[tilespmem:s0+$0x108A0] =	vst.add.f32.msk $0xffff, v11  }
0x18c: {  	[tilespmem:s0+$0x108B0] =	vst.add.f32.msk $0xffff, v12  }
0x18d: {  	[tilespmem:s0+$0x108C0] =	vst.add.f32.msk $0xffff, v13  }
0x18e: {  	s2 =	simm.s32 $0x0;
	s3 =	simm.s32 $0x400;
	[tilespmem:s0+$0x108D0] =	vst.add.f32.msk $0xffff, v14  }
.LBB2_12:
0x18f: {  	s2 =	sadd.s32 $0x2, s2;
	[tilespmem:s0+$0x108E0] =	vst.add.f32.msk $0xffff, v0;
	s0 =	sshra.s32 s3, $0x2  }
0x190: {  	v0 =	vld [tilespmem:s0+$0x40F0];
	p0 =	slt.u32 s2, $0xC6  }
0x191: {  	v1 =	vld [tilespmem:s0+$0x4000]  }
0x192: {  	v2 =	vld [tilespmem:s0+$0x4010]  }
0x193: {  	v3 =	vld [tilespmem:s0+$0x4020]  }
0x194: {  	v4 =	vld [tilespmem:s0+$0x4030]  }
0x195: {  	[tilespmem:s0+$0x108F0] =	vst.add.f32.msk $0xffff, v0  }
0x196: {  	v5 =	vld [tilespmem:s0+$0x4040]  }
0x197: {  	v6 =	vld [tilespmem:s0+$0x4050]  }
0x198: {  	v7 =	vld [tilespmem:s0+$0x4060]  }
0x199: {  	v8 =	vld [tilespmem:s0+$0x4070]  }
0x19a: {  	v9 =	vld [tilespmem:s0+$0x4080]  }
0x19b: {  	v10 =	vld [tilespmem:s0+$0x4090]  }
0x19c: {  	v11 =	vld [tilespmem:s0+$0x40A0]  }
0x19d: {  	v12 =	vld [tilespmem:s0+$0x40B0]  }
0x19e: {  	v13 =	vld [tilespmem:s0+$0x40C0]  }
0x19f: {  	v14 =	vld [tilespmem:s0+$0x40D0]  }
0x1a0: {  	v0 =	vld [tilespmem:s0+$0x40E0]  }
0x1a1: {  	[tilespmem:s0+$0x10800] =	vst.add.f32.msk $0xffff, v1  }
0x1a2: {  	[tilespmem:s0+$0x10810] =	vst.add.f32.msk $0xffff, v2  }
0x1a3: {  	[tilespmem:s0+$0x10820] =	vst.add.f32.msk $0xffff, v3  }
0x1a4: {  	[tilespmem:s0+$0x10830] =	vst.add.f32.msk $0xffff, v4  }
0x1a5: {  	[tilespmem:s0+$0x10840] =	vst.add.f32.msk $0xffff, v5  }
0x1a6: {  	[tilespmem:s0+$0x10850] =	vst.add.f32.msk $0xffff, v6  }
0x1a7: {  	[tilespmem:s0+$0x10860] =	vst.add.f32.msk $0xffff, v7  }
0x1a8: {  	[tilespmem:s0+$0x10870] =	vst.add.f32.msk $0xffff, v8  }
0x1a9: {  	[tilespmem:s0+$0x10880] =	vst.add.f32.msk $0xffff, v9  }
.Ltmp5:
0x1aa: {  	[tilespmem:s0+$0x10890] =	vst.add.f32.msk $0xffff, v10;
	(pc) =	sbr.rel @p0 .LBB2_12-.Ltmp5, $4  }
0x1ab: {  	[tilespmem:s0+$0x108A0] =	vst.add.f32.msk $0xffff, v11  }
0x1ac: {  	[tilespmem:s0+$0x108B0] =	vst.add.f32.msk $0xffff, v12  }
0x1ad: {  	[tilespmem:s0+$0x108C0] =	vst.add.f32.msk $0xffff, v13  }
0x1ae: {  	s3 =	sadd.s32 $0x400, s3;
	[tilespmem:s0+$0x108D0] =	vst.add.f32.msk $0xffff, v14  }
0x1af: {  	[tilespmem:s0+$0x108E0] =	vst.add.f32.msk $0xffff, v0;
	s30 =	sadd.s32 $0x1, s30  }
0x1b0: {  	[hbm4b:s11+s5] =	stream.linear.scatter [tilespmem:s20], [sflag:$0x3], $0x6400, $0x38;
	[tilespmem:$0x1D000] =	vst v63  }
0x1b1: {  	p0 =	sne.s32 s30, s12;
	_ =	swait.ge [sflag:s24], $0x6400  }
.Ltmp6:
0x1b2: {  	[sflag:s24] =	ssyncset.done $0x0;
	(pc) =	sbr.rel @p0 .LBB2_1-.Ltmp6, $4  }
0x1b3: {  	[sflag:s24] =	ssyncadd.s32 $0xFFFF9C00  }
0x1b4: {  	_ =	swait.ge [sflag:s28], $0x6400  }
0x1b5: {  	[sflag:s28] =	ssyncset.done $0x0  }
0x1b6: {  	[sflag:s28] =	ssyncadd.s32 $0xFFFF9C00  }
0x1b7: {  	_ =	sfence.sel $0x180000  }
0x1b8: {  	[bflag:$0x0] =	sbarrier.arrive $0xFFFF  }
0x1b9: {  	_ =	strace $0x90000047  }
0x1ba: {  	s0 =	stileid.u32;
	[bflag:$0x2] =	sbarrier.arrive $0xFFFF  }
0x1bb: {  	p0 =	sne.s32 s0, $0x0;
	s0 =	rddreg [dreg:$0x4]  }
0x1bc: {  	s0 =	sadd.s32 @!p0 $0x100000, s0  }
0x1bd: {  	[sflag:s0] =	ssyncadd.tile.s32 @!p0 $0x1;
	_ =	shalt  }
.Lfunc_end2:
_tile_overlayer_lowered:
.L_overlay_start_2:
0x1be: {  	(tag) =	ssettag $0x2  }
0x1bf: {  	s0 =	rddreg [dreg:$0x0];
	s2 =	stileid.u32  }
0x1c0: {  	s1 =	rddreg [dreg:$0x1];
	p0 =	sne.s32 s2, $0x0  }
0x1c1: {  	s3 =	rddreg [dreg:$0x2];
	[bflag:$0x3] =	sbarrier.arrive $0xFFFF;
	s2 =	simm.s32 @!p0 $0x1C05  }
0x1c2: {  	[timem:s3], [sflag:s2] =	dma.local @!p0 [hbm:s0], s1  }
0x1c3: {  	s0 =	simm.s32 @!p0 $0x5  }
0x1c4: {  	_ =	swait.ge @!p0 [sflag:s0], s1  }
0x1c5: {  	s1 =	ssub.s32 @!p0 $0x0, s1;
	[sflag:s0] =	ssyncset.done @!p0 $0x0  }
0x1c6: {  	[sflag:s0] =	ssyncadd.s32 @!p0 s1  }
0x1c7: {  	[bflag:$0x3] =	sbarrier.arrive $0xFFFF  }
0x1c8: {  	_ =	shalt  }

</sc_bundles>
